<compile_context>
chip_gen: v7x
topology: tpu7x:2x2x1
jax: 0.10.2.dev20260603
libtpu: 0.0.44.dev20260713+nightly
codegen_flags: <defaults>
</compile_context>

<pallas_src>
import functools

import jax
import jax.numpy as jnp
from jax import lax
from jax.experimental import pallas as pl
from jax.experimental.pallas import tpu as pltpu
from jax.experimental.pallas import tpu_sc as plsc

D = 64
EPS = 1e-10
NW = 32
CHUNK = 128
FIRE = 7
BU1 = 16
BU2 = 128


def _sc_gather(comb_table, user_table, left_idx, right_idx, uid_idx, nbr_idx):
    x_chunks = left_idx.shape[0] // (NW * CHUNK)
    nbr_chunks = nbr_idx.shape[0] // (NW * CHUNK)
    uid_per = uid_idx.shape[0] // NW

    mesh = plsc.VectorSubcoreMesh(core_axis_name="c", subcore_axis_name="s")

    @functools.partial(
        pl.kernel,
        out_type=[
            jax.ShapeDtypeStruct((x_chunks * NW, CHUNK, D), comb_table.dtype),
            jax.ShapeDtypeStruct((x_chunks * NW, CHUNK, D), comb_table.dtype),
            jax.ShapeDtypeStruct((uid_idx.shape[0], D), comb_table.dtype),
            jax.ShapeDtypeStruct((nbr_chunks * NW, CHUNK, D), comb_table.dtype),
        ],
        mesh=mesh,
        scratch_types=[
            pltpu.VMEM((x_chunks * CHUNK,), jnp.int32),
            pltpu.VMEM((FIRE, CHUNK, D), comb_table.dtype),
            pltpu.VMEM((uid_per,), jnp.int32),
            pltpu.VMEM((uid_per, D), comb_table.dtype),
            pltpu.SemaphoreType.DMA,
        ],
        compiler_params=pltpu.CompilerParams(use_tc_tiling_on_sc=False),
    )
    def gather_k(comb_t, user_t, left_i, right_i, uid_i, nbr_i,
                 left_o, right_o, uid_o, nbr_o,
                 idx_v, rows_v, uidx_v, urows_v, sem):
        wid = lax.axis_index("s") * 2 + lax.axis_index("c")

        def job(tab, idx_h, out_h, n_chunks):
            base = wid * n_chunks
            per_tile = n_chunks * CHUNK
            pltpu.sync_copy(idx_h.at[pl.ds(wid * per_tile, per_tile)],
                            idx_v.at[pl.ds(0, per_tile)])
            n_groups = n_chunks // FIRE
            rem = n_chunks - n_groups * FIRE

            def fire_drain(g, k):
                cps = [
                    pltpu.make_async_copy(
                        tab.at[idx_v.at[pl.ds((g * FIRE + j) * CHUNK, CHUNK)]],
                        rows_v.at[j], sem)
                    for j in range(k)
                ]
                for c in cps:
                    c.start()
                for c in cps:
                    c.wait()
                pltpu.sync_copy(rows_v.at[pl.ds(0, k)],
                                out_h.at[pl.ds(base + g * FIRE, k)])

            def body(g, carry):
                fire_drain(g, FIRE)
                return carry

            lax.fori_loop(0, n_groups, body, 0)
            if rem:
                fire_drain(n_groups, rem)

        job(comb_t, left_i, left_o, x_chunks)
        job(comb_t, right_i, right_o, x_chunks)
        job(user_t, nbr_i, nbr_o, nbr_chunks)
        pltpu.sync_copy(uid_i.at[pl.ds(wid * uid_per, uid_per)], uidx_v)
        pltpu.async_copy(user_t.at[uidx_v], urows_v, sem).wait()
        pltpu.sync_copy(urows_v, uid_o.at[pl.ds(wid * uid_per, uid_per)])

    return gather_k(comb_table, user_table, left_idx, right_idx, uid_idx,
                    nbr_idx)


def _seg_mat(per, rows, cols, dtype):
    c = lax.broadcasted_iota(jnp.int32, (rows, cols), 1)
    r = lax.broadcasted_iota(jnp.int32, (rows, cols), 0)
    return (c // per == r).astype(dtype)


def _rep_mat2(per, rows, cols, dtype):
    cc = lax.broadcasted_iota(jnp.int32, (rows, cols), 1)
    rr = lax.broadcasted_iota(jnp.int32, (rows, cols), 0)
    return ((rr % (per * cols)) // per == cc).astype(dtype)


def _tc_stage1(B, Li, Nn, H,
               xl, xr, mk1, mks, pu_g, nbr_g, seg_li, rep_li, seg_h, rep_h2,
               gvW1a, gvW1b, gvb1, gvW2t, gvb2, uiWf, uibf, uiWp,
               uiw2c, uib2):
    G = B // BU1
    R1 = BU1 * Li
    R2 = BU1 * Nn * H
    RN = BU1 * Nn
    RT = R1 + 2 * R2
    f32 = jnp.float32
    bf16 = jnp.bfloat16

    def dot(a, b):
        return lax.dot_general(a.astype(bf16), b.astype(bf16),
                               (((1,), (0,)), ((), ())),
                               preferred_element_type=f32)

    def body(xl_r, xr_r, mk1_r, mks_r, pu_r, nbr_r,
             seg_li_r, rep_li_r, seg_h_r, rep_h2_r,
             gvW1a_r, gvW1b_r, gvb1_r, gvW2t_r, gvb2_r, uiWf_r, uibf_r,
             uiWp_r, uiw2c_r, uib2_r, o1, o2):
        relu = lambda x: jnp.maximum(x, 0.0)
        seg_li = seg_li_r[...]
        rep_li = rep_li_r[...]
        seg_h = seg_h_r[...]
        rep_h2 = rep_h2_r[...]

        mk1c = mk1_r[...]
        mksc = mks_r[...]
        xh = relu(dot(xl_r[...], gvW1a_r[...]) +
                  dot(xr_r[...], gvW1b_r[...]) + gvb1_r[...])
        xall = dot(xh, gvW2t_r[...]) + gvb2_r[...]
        pre = dot(xh, uiWf_r[...]) + uibf_r[...]
        s_u = dot(pu_r[...], uiWp_r[...])
        s_n = dot(nbr_r[...], uiWp_r[...])
        u_b = dot(rep_li, s_u)
        n_b = dot(rep_h2, s_n)

        t1 = relu(pre[:R1] + mk1c * u_b)
        ts = relu(pre[R1:] + mksc * n_b)
        a1 = jnp.exp(dot(t1, uiw2c_r[...]) + uib2_r[...]) * mk1c
        as_ = jnp.exp(dot(ts, uiw2c_r[...]) + uib2_r[...]) * mksc
        ax1 = a1 * xall[:R1]
        axs = as_ * xall[R1:]

        den1 = dot(seg_li, a1) + EPS
        wsum = dot(seg_li, ax1)
        den_s = dot(seg_h, as_[:R2] + as_[R2:]) + EPS
        num = dot(seg_h, axs[:R2] + axs[R2:])
        o1[...] = wsum / den1
        o2[...] = num / den_s

    def fixed(shape):
        return pl.BlockSpec(shape, lambda i: (0,) * len(shape))

    in_specs = [
        pl.BlockSpec((RT, D), lambda i: (i, 0)),
        pl.BlockSpec((RT, D), lambda i: (i, 0)),
        pl.BlockSpec((R1, 1), lambda i: (i, 0)),
        pl.BlockSpec((2 * R2, 1), lambda i: (i, 0)),
        pl.BlockSpec((BU1, D), lambda i: (i, 0)),
        pl.BlockSpec((RN, D), lambda i: (i, 0)),
    ] + [fixed(w.shape) for w in (
        seg_li, rep_li, seg_h, rep_h2,
        gvW1a, gvW1b, gvb1, gvW2t, gvb2, uiWf, uibf, uiWp, uiw2c, uib2)]

    return pl.pallas_call(
        body,
        grid=(G,),
        in_specs=in_specs,
        out_specs=[pl.BlockSpec((BU1, D), lambda i: (i, 0)),
                   pl.BlockSpec((RN, D), lambda i: (i, 0))],
        out_shape=[jax.ShapeDtypeStruct((B, D), jnp.float32),
                   jax.ShapeDtypeStruct((B * Nn, D), jnp.float32)],
    )(xl, xr, mk1, mks, pu_g, nbr_g, seg_li, rep_li, seg_h, rep_h2,
      gvW1a, gvW1b, gvb1, gvW2t, gvb2, uiWf, uibf, uiWp, uiw2c, uib2)


def _tc_stage2(B, Nn,
               o1, o2, nbr_g, mku, seg_nn,
               aiWt, aib, uuW1a, uuW1b, uub1, uuw2c, uub2, anWt, anb,
               mW1a, mW1b, mb1, mW2t, mb2, mW3t, mb3):
    G = B // BU2
    RN = BU2 * Nn
    f32 = jnp.float32
    bf16 = jnp.bfloat16

    def dot(a, b):
        return lax.dot_general(a.astype(bf16), b.astype(bf16),
                               (((1,), (0,)), ((), ())),
                               preferred_element_type=f32)

    def body(o1_r, o2_r, nbr_r, mku_r, seg_nn_r,
             aiWt_r, aib_r, uuW1a_r, uuW1b_r, uub1_r, uuw2c_r, uub2_r,
             anWt_r, anb_r, mW1a_r, mW1b_r, mb1_r, mW2t_r, mb2_r,
             mW3t_r, mb3_r, out):
        relu = lambda x: jnp.maximum(x, 0.0)
        seg_nn = seg_nn_r[...]

        h_iI = relu(dot(o1_r[...], aiWt_r[...]) + aib_r[...])
        h_oI = relu(dot(o2_r[...], aiWt_r[...]) + aib_r[...])
        bt = relu(dot(h_oI, uuW1a_r[...]) +
                  dot(nbr_r[...], uuW1b_r[...]) + uub1_r[...])
        bl = dot(bt, uuw2c_r[...]) + uub2_r[...]
        be = jnp.exp(bl) * mku_r[...]
        den_b = dot(seg_nn, be) + EPS
        s2 = dot(seg_nn, be * h_oI) / den_b
        h_iS = relu(dot(s2, anWt_r[...]) + anb_r[...])

        h = relu(dot(h_iI, mW1a_r[...]) + dot(h_iS, mW1b_r[...]) + mb1_r[...])
        h = relu(dot(h, mW2t_r[...]) + mb2_r[...])
        out[...] = relu(dot(h, mW3t_r[...]) + mb3_r[...])

    def fixed(shape):
        return pl.BlockSpec(shape, lambda i: (0,) * len(shape))

    in_specs = [
        pl.BlockSpec((BU2, D), lambda i: (i, 0)),
        pl.BlockSpec((RN, D), lambda i: (i, 0)),
        pl.BlockSpec((RN, D), lambda i: (i, 0)),
        pl.BlockSpec((RN, 1), lambda i: (i, 0)),
    ] + [fixed(w.shape) for w in (
        seg_nn, aiWt, aib, uuW1a, uuW1b, uub1, uuw2c, uub2, anWt, anb,
        mW1a, mW1b, mb1, mW2t, mb2, mW3t, mb3)]

    return pl.pallas_call(
        body,
        grid=(G,),
        in_specs=in_specs,
        out_specs=pl.BlockSpec((BU2, D), lambda i: (i, 0)),
        out_shape=jax.ShapeDtypeStruct((B, D), jnp.float32),
    )(o1, o2, nbr_g, mku, seg_nn,
      aiWt, aib, uuW1a, uuW1b, uub1, uuw2c, uub2, anWt, anb,
      mW1a, mW1b, mb1, mW2t, mb2, mW3t, mb3)


def kernel(uids, u_item_pad, u_user_pad, u_user_item_pad, user_table,
           item_table, rating_table, gv_W1, gv_b1, gv_W2, gv_b2, ui_W1,
           ui_b1, ui_W2, ui_b2, ai_W, ai_b, uu_W1, uu_b1, uu_W2, uu_b2,
           an_W, an_b, m_W1, m_b1, m_W2, m_b2, m_W3, m_b3):
    B, Li, _ = u_item_pad.shape
    _, Nn, Mi, _ = u_user_item_pad.shape
    H = Mi // 2
    V = item_table.shape[0]
    i32 = jnp.int32
    G1 = B // BU1

    uip = u_item_pad.astype(i32)
    uuip = u_user_item_pad.astype(i32)
    left = jnp.concatenate([
        uip[:, :, 0].reshape(G1, -1),
        uuip[:, :, 0::2, 0].reshape(G1, -1),
        uuip[:, :, 0::2, 1].reshape(G1, -1) + V], axis=1).reshape(-1)
    right = jnp.concatenate([
        uip[:, :, 1].reshape(G1, -1) + V,
        uuip[:, :, 1::2, 0].reshape(G1, -1),
        uuip[:, :, 1::2, 1].reshape(G1, -1) + V], axis=1).reshape(-1)
    f32 = jnp.float32
    mk1 = (uip[:, :, 0] > 0).astype(f32).reshape(B * Li, 1)
    ms3 = (uuip[:, :, :, 0] > 0).astype(f32).reshape(G1, BU1 * Nn, Mi)
    mks = jnp.concatenate([ms3[:, :, :H].reshape(G1, -1),
                           ms3[:, :, H:].reshape(G1, -1)],
                          axis=1).reshape(-1, 1)
    n_raw = left.shape[0]
    n_pad = -n_raw % (NW * CHUNK)
    if n_pad:
        pad = jnp.zeros((n_pad,), i32)
        left = jnp.concatenate([left, pad])
        right = jnp.concatenate([right, pad])
    nbr_idx = u_user_pad.astype(i32).reshape(-1)
    uid_idx = uids.astype(i32)
    mku = (u_user_pad > 0).astype(f32).reshape(B * Nn, 1)

    bf16 = jnp.bfloat16
    comb = jnp.concatenate([item_table, rating_table]).astype(bf16)
    xl3, xr3, pu_g, nbr_g3 = _sc_gather(
        comb, user_table.astype(bf16), left, right, uid_idx, nbr_idx)
    xl = xl3.reshape(-1, D)
    xr = xr3.reshape(-1, D)
    nbr_g = nbr_g3.reshape(-1, D)

    R1 = BU1 * Li
    R2 = BU1 * Nn * H
    RN1 = BU1 * Nn
    seg_li = _seg_mat(Li, BU1, R1, bf16)
    rep_li = _rep_mat2(Li, R1, BU1, bf16)
    seg_h = _seg_mat(H, RN1, R2, bf16)
    rep_h2 = _rep_mat2(H, 2 * R2, RN1, bf16)
    seg_nn = _seg_mat(Nn, BU2, BU2 * Nn, bf16)

    row = lambda b: b.reshape(1, -1)
    uiW1x = ui_W1.T[:D]
    uiWf = gv_W2.T @ uiW1x
    uibf = row(gv_b2 @ uiW1x + ui_b1)
    o1, o2 = _tc_stage1(
        B, Li, Nn, H, xl, xr, mk1, mks, pu_g, nbr_g,
        seg_li, rep_li, seg_h, rep_h2,
        gv_W1.T[:D], gv_W1.T[D:], row(gv_b1), gv_W2.T, row(gv_b2),
        uiWf, uibf, ui_W1.T[D:], ui_W2.T, row(ui_b2))
    return _tc_stage2(
        B, Nn, o1, o2, nbr_g, mku, seg_nn,
        ai_W.T, row(ai_b), uu_W1.T[:D], uu_W1.T[D:], row(uu_b1),
        uu_W2.T, row(uu_b2), an_W.T, row(an_b),
        m_W1.T[:D], m_W1.T[D:], row(m_b1), m_W2.T, row(m_b2),
        m_W3.T, row(m_b3))

# --- scband reference (transcript-rebuilt; emitter-appended) ---
"""Pipeline reference for scband-user-model-34806414967195 (READ-ONLY COPY).

The authoritative reference and input builder live on the scoring server;
editing this copy changes nothing except your own understanding.
"""

import jax, jax.numpy as jnp
import numpy as np

D = 64
EPS = 1e-10


def _mlp(x, W1, b1, W2, b2):
    h = jax.nn.relu(x @ W1.T + b1)
    return h @ W2.T + b2


def _forward(uids, u_item_pad, u_user_pad, u_user_item_pad, user_table, item_table, rating_table, gv_W1, gv_b1, gv_W2, gv_b2, ui_W1, ui_b1, ui_W2, ui_b2, ai_W, ai_b, uu_W1, uu_b1, uu_W2, uu_b2, an_W, an_b, m_W1, m_b1, m_W2, m_b2, m_W3, m_b3):
    q_a = item_table[u_item_pad[:, :, 0]]
    u_item_er = rating_table[u_item_pad[:, :, 1]]
    x_ia = _mlp(jnp.concatenate([q_a, u_item_er], axis=2).reshape(-1, 2 * D), gv_W1, gv_b1, gv_W2, gv_b2).reshape(q_a.shape)
    mask_u = (u_item_pad[:, :, 0] > 0).astype(jnp.float32)
    p_i = mask_u[:, :, None] * user_table[uids][:, None, :]
    alpha = _mlp(jnp.concatenate([x_ia, p_i], axis=2).reshape(-1, 2 * D), ui_W1, ui_b1, ui_W2, ui_b2).reshape(mask_u.shape)
    alpha = jnp.exp(alpha) * mask_u
    alpha = alpha / (jnp.sum(alpha, axis=1, keepdims=True) + EPS)
    h_iI = jax.nn.relu(jnp.sum(alpha[:, :, None] * x_ia, axis=1) @ ai_W.T + ai_b)
    q_a_s = item_table[u_user_item_pad[:, :, :, 0]]
    er_s = rating_table[u_user_item_pad[:, :, :, 1]]
    # NOTE: faithful to original torch code, which concatenates along dim=2 (not the feature dim)
    x_ia_s = _mlp(jnp.concatenate([q_a_s, er_s], axis=2).reshape(-1, 2 * D), gv_W1, gv_b1, gv_W2, gv_b2).reshape(q_a_s.shape)
    mask_s = (u_user_item_pad[:, :, :, 0] > 0).astype(jnp.float32)
    p_i_s = mask_s[:, :, :, None] * user_table[u_user_pad][:, :, None, :]
    alpha_s = _mlp(jnp.concatenate([x_ia_s, p_i_s], axis=3).reshape(-1, 2 * D), ui_W1, ui_b1, ui_W2, ui_b2).reshape(mask_s.shape)
    alpha_s = jnp.exp(alpha_s) * mask_s
    alpha_s = alpha_s / (jnp.sum(alpha_s, axis=2, keepdims=True) + EPS)
    h_oI_temp = jnp.sum(alpha_s[:, :, :, None] * x_ia_s, axis=2)
    h_oI = jax.nn.relu(h_oI_temp.reshape(-1, D) @ ai_W.T + ai_b).reshape(h_oI_temp.shape)
    beta = _mlp(jnp.concatenate([h_oI, user_table[u_user_pad]], axis=2).reshape(-1, 2 * D), uu_W1, uu_b1, uu_W2, uu_b2).reshape(u_user_pad.shape)
    mask_su = (u_user_pad > 0).astype(jnp.float32)
    beta = jnp.exp(beta) * mask_su
    beta = beta / (jnp.sum(beta, axis=1, keepdims=True) + EPS)
    h_iS = jax.nn.relu(jnp.sum(beta[:, :, None] * h_oI, axis=1) @ an_W.T + an_b)
    h = jax.nn.relu(jnp.concatenate([h_iI, h_iS], axis=1) @ m_W1.T + m_b1)
    h = jax.nn.relu(h @ m_W2.T + m_b2)
    h = jax.nn.relu(h @ m_W3.T + m_b3)
    return h


def setup_inputs(seed=0) -> dict:
    key = jax.random.key(seed)
    ks = jax.random.split(key, 32)
    B, Li, Nn, Mi, V = 1024, 50, 20, 20, 100000

    def w(i, shape):
        return jax.random.normal(ks[i], shape, dtype=jnp.float32) * 0.05

    inp = {
        "uids": jax.random.randint(ks[0], (B,), 0, V),
        "u_item_pad": jax.random.randint(ks[1], (B, Li, 2), 0, V),
        "u_user_pad": jax.random.randint(ks[2], (B, Nn), 0, V),
        "u_user_item_pad": jax.random.randint(ks[3], (B, Nn, Mi, 2), 0, V),
        "user_table": w(4, (V, D)),
        "item_table": w(5, (V, D)),
        "rating_table": w(6, (V, D)),
        "gv_W1": w(7, (D, 2 * D)), "gv_b1": w(8, (D,)),
        "gv_W2": w(9, (D, D)), "gv_b2": w(10, (D,)),
        "ui_W1": w(11, (D, 2 * D)), "ui_b1": w(12, (D,)),
        "ui_W2": w(13, (1, D)), "ui_b2": w(14, (1,)),
        "ai_W": w(15, (D, D)), "ai_b": w(16, (D,)),
        "uu_W1": w(17, (D, 2 * D)), "uu_b1": w(18, (D,)),
        "uu_W2": w(19, (1, D)), "uu_b2": w(20, (1,)),
        "an_W": w(21, (D, D)), "an_b": w(22, (D,)),
        "m_W1": w(23, (D, 2 * D)), "m_b1": w(24, (D,)),
        "m_W2": w(25, (D, D)), "m_b2": w(26, (D,)),
        "m_W3": w(27, (D, D)), "m_b3": w(28, (D,)),
    }
    return inp


def reference(uids, u_item_pad, u_user_pad, u_user_item_pad, user_table, item_table, rating_table, gv_W1, gv_b1, gv_W2, gv_b2, ui_W1, ui_b1, ui_W2, ui_b2, ai_W, ai_b, uu_W1, uu_b1, uu_W2, uu_b2, an_W, an_b, m_W1, m_b1, m_W2, m_b2, m_W3, m_b3):
    return _forward(uids, u_item_pad, u_user_pad, u_user_item_pad, user_table, item_table, rating_table, gv_W1, gv_b1, gv_W2, gv_b2, ui_W1, ui_b1, ui_W2, ui_b2, ai_W, ai_b, uu_W1, uu_b1, uu_W2, uu_b2, an_W, an_b, m_W1, m_b1, m_W2, m_b2, m_W3, m_b3)

if __name__ == "__main__":
    import jax
    _d = setup_inputs()
    print(jax.jit(kernel)(*tuple(_d.values())))

</pallas_src>

<mosaic_0001>
#map = affine_map<(d0, d1) -> (0, 0)>
#map1 = affine_map<(d0, d1) -> (0)>
#map2 = affine_map<(d0, d1) -> (0, 0, 0)>
module attributes {stable_mosaic.version = 14 : i64} {
  func.func @gather_k(%arg0: i32, %arg1: i32, %arg2: memref<200000x64xbf16, #tpu.memory_space<hbm>>, %arg3: memref<100000x64xbf16, #tpu.memory_space<hbm>>, %arg4: memref<462848xi32, #tpu.memory_space<hbm>>, %arg5: memref<462848xi32, #tpu.memory_space<hbm>>, %arg6: memref<1024xi32, #tpu.memory_space<hbm>>, %arg7: memref<20480xi32, #tpu.memory_space<hbm>>, %arg8: memref<3616x128x64xbf16, #tpu.memory_space<hbm>>, %arg9: memref<3616x128x64xbf16, #tpu.memory_space<hbm>>, %arg10: memref<1024x64xbf16, #tpu.memory_space<hbm>>, %arg11: memref<160x128x64xbf16, #tpu.memory_space<hbm>>, %arg12: memref<14464xi32, #tpu.memory_space<vmem>>, %arg13: memref<7x128x64xbf16, #tpu.memory_space<vmem>>, %arg14: memref<32xi32, #tpu.memory_space<vmem>>, %arg15: memref<32x64xbf16, #tpu.memory_space<vmem>>, %arg16: memref<!tpu.dma_semaphore, #tpu.memory_space<semaphore_mem>>) attributes {dimension_semantics = [#tpu.dimension_semantics<core_parallel>, #tpu.dimension_semantics<subcore_parallel>], iteration_bounds = array<i64: 2, 16>, scalar_prefetch = 0 : i64, scratch_operands = 5 : i64, tpu.core_type = #tpu.core_type<sc_vector_subcore>, window_params = [{transform_indices = #map}, {transform_indices = #map}, {transform_indices = #map1}, {transform_indices = #map1}, {transform_indices = #map1}, {transform_indices = #map1}, {transform_indices = #map2}, {transform_indices = #map2}, {transform_indices = #map}, {transform_indices = #map2}]} {
    %mul3A = arith.constant 2 : i32
    %mul3A_0 = arith.muli %arg1, %mul3A : i32
    %add3A = arith.addi %mul3A_0, %arg0 : i32
    %mul3A_1 = arith.constant 113 : i32
    %mul3A_2 = arith.muli %add3A, %mul3A_1 : i32
    %mul3A_3 = arith.constant 14464 : i32
    %mul3A_4 = arith.muli %add3A, %mul3A_3 : i32
    "tpu.region"() ({
      %run_scoped3A = tpu.sem_alloc : memref<!tpu.dma_semaphore, #tpu.memory_space<semaphore_mem>>
      %dma_start3A_183 = arith.constant 0 : i32
      %dma_start3A_184 = tpu.memref_slice %arg12[%dma_start3A_183] : memref<14464xi32, #tpu.memory_space<vmem>> -> memref<14464xi32, #tpu.memory_space<vmem>>
      %dma_start3A_185 = tpu.memref_slice %arg4[%mul3A_4] : memref<462848xi32, #tpu.memory_space<hbm>> -> memref<14464xi32, #tpu.memory_space<hbm>>
      %dma_start3A_186 = arith.constant 0 : i32
      %dma_start3A_187 = tpu.memref_slice %arg12[%dma_start3A_186] : memref<14464xi32, #tpu.memory_space<vmem>> -> memref<14464xi32, #tpu.memory_space<vmem>>
      %dma_start3A_188 = tpu.memref_slice %arg4[%mul3A_4] : memref<462848xi32, #tpu.memory_space<hbm>> -> memref<14464xi32, #tpu.memory_space<hbm>>
      tpu.enqueue_dma source(%dma_start3A_188 : memref<14464xi32, #tpu.memory_space<hbm>>) target(%dma_start3A_187 : memref<14464xi32, #tpu.memory_space<vmem>>) target_semaphore(%run_scoped3A : memref<!tpu.dma_semaphore, #tpu.memory_space<semaphore_mem>>)
      %dma_wait3A_189 = arith.constant 0 : i32
      %dma_wait3A_190 = tpu.memref_slice %arg12[%dma_wait3A_189] : memref<14464xi32, #tpu.memory_space<vmem>> -> memref<14464xi32, #tpu.memory_space<vmem>>
      %dma_wait3A_191 = tpu.memref_slice %arg4[%mul3A_4] : memref<462848xi32, #tpu.memory_space<hbm>> -> memref<14464xi32, #tpu.memory_space<hbm>>
      %dma_wait3A_192 = arith.constant 0 : i32
      %dma_wait3A_193 = tpu.memref_slice %arg12[%dma_wait3A_192] : memref<14464xi32, #tpu.memory_space<vmem>> -> memref<14464xi32, #tpu.memory_space<vmem>>
      %dma_wait3A_194 = tpu.memref_slice %arg4[%mul3A_4] : memref<462848xi32, #tpu.memory_space<hbm>> -> memref<14464xi32, #tpu.memory_space<hbm>>
      tpu.wait_dma2 semaphore(%run_scoped3A : memref<!tpu.dma_semaphore, #tpu.memory_space<semaphore_mem>>) src(%dma_wait3A_194 : memref<14464xi32, #tpu.memory_space<hbm>>) dst(%dma_wait3A_193 : memref<14464xi32, #tpu.memory_space<vmem>>)
      tpu.yield
    }) : () -> ()
    %scan3A = arith.constant 0 : i32
    %scan3A_5 = arith.constant 0 : i32
    %scan3A_6 = arith.constant 16 : i32
    %scan3A_7 = arith.addi %scan3A_5, %scan3A_6 : i32
    %scan3A_8 = arith.constant 1 : i32
    scf.for %scan3A_183 = %scan3A_5 to %scan3A_7 step %scan3A_8  : i32 {
      %mul3A_184 = arith.constant 7 : i32
      %mul3A_185 = arith.muli %scan3A_183, %mul3A_184 : i32
      %add3A_186 = arith.constant 0 : i32
      %add3A_187 = arith.addi %mul3A_185, %add3A_186 : i32
      %mul3A_188 = arith.constant 128 : i32
      %mul3A_189 = arith.muli %add3A_187, %mul3A_188 : i32
      %mul3A_190 = arith.constant 7 : i32
      %mul3A_191 = arith.muli %scan3A_183, %mul3A_190 : i32
      %add3A_192 = arith.constant 1 : i32
      %add3A_193 = arith.addi %mul3A_191, %add3A_192 : i32
      %mul3A_194 = arith.constant 128 : i32
      %mul3A_195 = arith.muli %add3A_193, %mul3A_194 : i32
      %mul3A_196 = arith.constant 7 : i32
      %mul3A_197 = arith.muli %scan3A_183, %mul3A_196 : i32
      %add3A_198 = arith.constant 2 : i32
      %add3A_199 = arith.addi %mul3A_197, %add3A_198 : i32
      %mul3A_200 = arith.constant 128 : i32
      %mul3A_201 = arith.muli %add3A_199, %mul3A_200 : i32
      %mul3A_202 = arith.constant 7 : i32
      %mul3A_203 = arith.muli %scan3A_183, %mul3A_202 : i32
      %add3A_204 = arith.constant 3 : i32
      %add3A_205 = arith.addi %mul3A_203, %add3A_204 : i32
      %mul3A_206 = arith.constant 128 : i32
      %mul3A_207 = arith.muli %add3A_205, %mul3A_206 : i32
      %mul3A_208 = arith.constant 7 : i32
      %mul3A_209 = arith.muli %scan3A_183, %mul3A_208 : i32
      %add3A_210 = arith.constant 4 : i32
      %add3A_211 = arith.addi %mul3A_209, %add3A_210 : i32
      %mul3A_212 = arith.constant 128 : i32
      %mul3A_213 = arith.muli %add3A_211, %mul3A_212 : i32
      %mul3A_214 = arith.constant 7 : i32
      %mul3A_215 = arith.muli %scan3A_183, %mul3A_214 : i32
      %add3A_216 = arith.constant 5 : i32
      %add3A_217 = arith.addi %mul3A_215, %add3A_216 : i32
      %mul3A_218 = arith.constant 128 : i32
      %mul3A_219 = arith.muli %add3A_217, %mul3A_218 : i32
      %mul3A_220 = arith.constant 7 : i32
      %mul3A_221 = arith.muli %scan3A_183, %mul3A_220 : i32
      %add3A_222 = arith.constant 6 : i32
      %add3A_223 = arith.addi %mul3A_221, %add3A_222 : i32
      %mul3A_224 = arith.constant 128 : i32
      %mul3A_225 = arith.muli %add3A_223, %mul3A_224 : i32
      %dma_start3A_226 = arith.constant 0 : i32
      %dma_start3A_227 = arith.constant 0 : i32
      %dma_start3A_228 = arith.constant 0 : i32
      %dma_start3A_229 = tpu.memref_slice %arg13[%dma_start3A_226, %dma_start3A_227, %dma_start3A_228] : memref<7x128x64xbf16, #tpu.memory_space<vmem>> -> memref<1x128x64xbf16, #tpu.memory_space<vmem>>
      %dma_start3A_230 = tpu.memref_squeeze %dma_start3A_229 : memref<1x128x64xbf16, #tpu.memory_space<vmem>> -> memref<128x64xbf16, #tpu.memory_space<vmem>>
      %dma_start3A_231 = tpu.memref_slice %arg12[%mul3A_189] : memref<14464xi32, #tpu.memory_space<vmem>> -> memref<128xi32, #tpu.memory_space<vmem>>
      %dma_start3A_232 = arith.constant 0 : i32
      %dma_start3A_233 = arith.constant 0 : i32
      %dma_start3A_234 = tpu.memref_slice %arg2[%dma_start3A_232, %dma_start3A_233] : memref<200000x64xbf16, #tpu.memory_space<hbm>> -> memref<200000x64xbf16, #tpu.memory_space<hbm>>
      tpu.enqueue_indirect_dma source(%dma_start3A_234 : memref<200000x64xbf16, #tpu.memory_space<hbm>>) target(%dma_start3A_230 : memref<128x64xbf16, #tpu.memory_space<vmem>>) offsets(%dma_start3A_231 : memref<128xi32, #tpu.memory_space<vmem>>) semaphore(%arg16 : memref<!tpu.dma_semaphore, #tpu.memory_space<semaphore_mem>>)
      %dma_start3A_235 = arith.constant 1 : i32
      %dma_start3A_236 = arith.constant 0 : i32
      %dma_start3A_237 = arith.constant 0 : i32
      %dma_start3A_238 = tpu.memref_slice %arg13[%dma_start3A_235, %dma_start3A_236, %dma_start3A_237] : memref<7x128x64xbf16, #tpu.memory_space<vmem>> -> memref<1x128x64xbf16, #tpu.memory_space<vmem>>
      %dma_start3A_239 = tpu.memref_squeeze %dma_start3A_238 : memref<1x128x64xbf16, #tpu.memory_space<vmem>> -> memref<128x64xbf16, #tpu.memory_space<vmem>>
      %dma_start3A_240 = tpu.memref_slice %arg12[%mul3A_195] : memref<14464xi32, #tpu.memory_space<vmem>> -> memref<128xi32, #tpu.memory_space<vmem>>
      %dma_start3A_241 = arith.constant 0 : i32
      %dma_start3A_242 = arith.constant 0 : i32
      %dma_start3A_243 = tpu.memref_slice %arg2[%dma_start3A_241, %dma_start3A_242] : memref<200000x64xbf16, #tpu.memory_space<hbm>> -> memref<200000x64xbf16, #tpu.memory_space<hbm>>
      tpu.enqueue_indirect_dma source(%dma_start3A_243 : memref<200000x64xbf16, #tpu.memory_space<hbm>>) target(%dma_start3A_239 : memref<128x64xbf16, #tpu.memory_space<vmem>>) offsets(%dma_start3A_240 : memref<128xi32, #tpu.memory_space<vmem>>) semaphore(%arg16 : memref<!tpu.dma_semaphore, #tpu.memory_space<semaphore_mem>>)
      %dma_start3A_244 = arith.constant 2 : i32
      %dma_start3A_245 = arith.constant 0 : i32
      %dma_start3A_246 = arith.constant 0 : i32
      %dma_start3A_247 = tpu.memref_slice %arg13[%dma_start3A_244, %dma_start3A_245, %dma_start3A_246] : memref<7x128x64xbf16, #tpu.memory_space<vmem>> -> memref<1x128x64xbf16, #tpu.memory_space<vmem>>
      %dma_start3A_248 = tpu.memref_squeeze %dma_start3A_247 : memref<1x128x64xbf16, #tpu.memory_space<vmem>> -> memref<128x64xbf16, #tpu.memory_space<vmem>>
      %dma_start3A_249 = tpu.memref_slice %arg12[%mul3A_201] : memref<14464xi32, #tpu.memory_space<vmem>> -> memref<128xi32, #tpu.memory_space<vmem>>
      %dma_start3A_250 = arith.constant 0 : i32
      %dma_start3A_251 = arith.constant 0 : i32
      %dma_start3A_252 = tpu.memref_slice %arg2[%dma_start3A_250, %dma_start3A_251] : memref<200000x64xbf16, #tpu.memory_space<hbm>> -> memref<200000x64xbf16, #tpu.memory_space<hbm>>
      tpu.enqueue_indirect_dma source(%dma_start3A_252 : memref<200000x64xbf16, #tpu.memory_space<hbm>>) target(%dma_start3A_248 : memref<128x64xbf16, #tpu.memory_space<vmem>>) offsets(%dma_start3A_249 : memref<128xi32, #tpu.memory_space<vmem>>) semaphore(%arg16 : memref<!tpu.dma_semaphore, #tpu.memory_space<semaphore_mem>>)
      %dma_start3A_253 = arith.constant 3 : i32
      %dma_start3A_254 = arith.constant 0 : i32
      %dma_start3A_255 = arith.constant 0 : i32
      %dma_start3A_256 = tpu.memref_slice %arg13[%dma_start3A_253, %dma_start3A_254, %dma_start3A_255] : memref<7x128x64xbf16, #tpu.memory_space<vmem>> -> memref<1x128x64xbf16, #tpu.memory_space<vmem>>
      %dma_start3A_257 = tpu.memref_squeeze %dma_start3A_256 : memref<1x128x64xbf16, #tpu.memory_space<vmem>> -> memref<128x64xbf16, #tpu.memory_space<vmem>>
      %dma_start3A_258 = tpu.memref_slice %arg12[%mul3A_207] : memref<14464xi32, #tpu.memory_space<vmem>> -> memref<128xi32, #tpu.memory_space<vmem>>
      %dma_start3A_259 = arith.constant 0 : i32
      %dma_start3A_260 = arith.constant 0 : i32
      %dma_start3A_261 = tpu.memref_slice %arg2[%dma_start3A_259, %dma_start3A_260] : memref<200000x64xbf16, #tpu.memory_space<hbm>> -> memref<200000x64xbf16, #tpu.memory_space<hbm>>
      tpu.enqueue_indirect_dma source(%dma_start3A_261 : memref<200000x64xbf16, #tpu.memory_space<hbm>>) target(%dma_start3A_257 : memref<128x64xbf16, #tpu.memory_space<vmem>>) offsets(%dma_start3A_258 : memref<128xi32, #tpu.memory_space<vmem>>) semaphore(%arg16 : memref<!tpu.dma_semaphore, #tpu.memory_space<semaphore_mem>>)
      %dma_start3A_262 = arith.constant 4 : i32
      %dma_start3A_263 = arith.constant 0 : i32
      %dma_start3A_264 = arith.constant 0 : i32
      %dma_start3A_265 = tpu.memref_slice %arg13[%dma_start3A_262, %dma_start3A_263, %dma_start3A_264] : memref<7x128x64xbf16, #tpu.memory_space<vmem>> -> memref<1x128x64xbf16, #tpu.memory_space<vmem>>
      %dma_start3A_266 = tpu.memref_squeeze %dma_start3A_265 : memref<1x128x64xbf16, #tpu.memory_space<vmem>> -> memref<128x64xbf16, #tpu.memory_space<vmem>>
      %dma_start3A_267 = tpu.memref_slice %arg12[%mul3A_213] : memref<14464xi32, #tpu.memory_space<vmem>> -> memref<128xi32, #tpu.memory_space<vmem>>
      %dma_start3A_268 = arith.constant 0 : i32
      %dma_start3A_269 = arith.constant 0 : i32
      %dma_start3A_270 = tpu.memref_slice %arg2[%dma_start3A_268, %dma_start3A_269] : memref<200000x64xbf16, #tpu.memory_space<hbm>> -> memref<200000x64xbf16, #tpu.memory_space<hbm>>
      tpu.enqueue_indirect_dma source(%dma_start3A_270 : memref<200000x64xbf16, #tpu.memory_space<hbm>>) target(%dma_start3A_266 : memref<128x64xbf16, #tpu.memory_space<vmem>>) offsets(%dma_start3A_267 : memref<128xi32, #tpu.memory_space<vmem>>) semaphore(%arg16 : memref<!tpu.dma_semaphore, #tpu.memory_space<semaphore_mem>>)
      %dma_start3A_271 = arith.constant 5 : i32
      %dma_start3A_272 = arith.constant 0 : i32
      %dma_start3A_273 = arith.constant 0 : i32
      %dma_start3A_274 = tpu.memref_slice %arg13[%dma_start3A_271, %dma_start3A_272, %dma_start3A_273] : memref<7x128x64xbf16, #tpu.memory_space<vmem>> -> memref<1x128x64xbf16, #tpu.memory_space<vmem>>
      %dma_start3A_275 = tpu.memref_squeeze %dma_start3A_274 : memref<1x128x64xbf16, #tpu.memory_space<vmem>> -> memref<128x64xbf16, #tpu.memory_space<vmem>>
      %dma_start3A_276 = tpu.memref_slice %arg12[%mul3A_219] : memref<14464xi32, #tpu.memory_space<vmem>> -> memref<128xi32, #tpu.memory_space<vmem>>
      %dma_start3A_277 = arith.constant 0 : i32
      %dma_start3A_278 = arith.constant 0 : i32
      %dma_start3A_279 = tpu.memref_slice %arg2[%dma_start3A_277, %dma_start3A_278] : memref<200000x64xbf16, #tpu.memory_space<hbm>> -> memref<200000x64xbf16, #tpu.memory_space<hbm>>
      tpu.enqueue_indirect_dma source(%dma_start3A_279 : memref<200000x64xbf16, #tpu.memory_space<hbm>>) target(%dma_start3A_275 : memref<128x64xbf16, #tpu.memory_space<vmem>>) offsets(%dma_start3A_276 : memref<128xi32, #tpu.memory_space<vmem>>) semaphore(%arg16 : memref<!tpu.dma_semaphore, #tpu.memory_space<semaphore_mem>>)
      %dma_start3A_280 = arith.constant 6 : i32
      %dma_start3A_281 = arith.constant 0 : i32
      %dma_start3A_282 = arith.constant 0 : i32
      %dma_start3A_283 = tpu.memref_slice %arg13[%dma_start3A_280, %dma_start3A_281, %dma_start3A_282] : memref<7x128x64xbf16, #tpu.memory_space<vmem>> -> memref<1x128x64xbf16, #tpu.memory_space<vmem>>
      %dma_start3A_284 = tpu.memref_squeeze %dma_start3A_283 : memref<1x128x64xbf16, #tpu.memory_space<vmem>> -> memref<128x64xbf16, #tpu.memory_space<vmem>>
      %dma_start3A_285 = tpu.memref_slice %arg12[%mul3A_225] : memref<14464xi32, #tpu.memory_space<vmem>> -> memref<128xi32, #tpu.memory_space<vmem>>
      %dma_start3A_286 = arith.constant 0 : i32
      %dma_start3A_287 = arith.constant 0 : i32
      %dma_start3A_288 = tpu.memref_slice %arg2[%dma_start3A_286, %dma_start3A_287] : memref<200000x64xbf16, #tpu.memory_space<hbm>> -> memref<200000x64xbf16, #tpu.memory_space<hbm>>
      tpu.enqueue_indirect_dma source(%dma_start3A_288 : memref<200000x64xbf16, #tpu.memory_space<hbm>>) target(%dma_start3A_284 : memref<128x64xbf16, #tpu.memory_space<vmem>>) offsets(%dma_start3A_285 : memref<128xi32, #tpu.memory_space<vmem>>) semaphore(%arg16 : memref<!tpu.dma_semaphore, #tpu.memory_space<semaphore_mem>>)
      %dma_wait3A_289 = arith.constant 0 : i32
      %dma_wait3A_290 = arith.constant 0 : i32
      %dma_wait3A_291 = arith.constant 0 : i32
      %dma_wait3A_292 = tpu.memref_slice %arg13[%dma_wait3A_289, %dma_wait3A_290, %dma_wait3A_291] : memref<7x128x64xbf16, #tpu.memory_space<vmem>> -> memref<1x128x64xbf16, #tpu.memory_space<vmem>>
      %dma_wait3A_293 = tpu.memref_squeeze %dma_wait3A_292 : memref<1x128x64xbf16, #tpu.memory_space<vmem>> -> memref<128x64xbf16, #tpu.memory_space<vmem>>
      %dma_wait3A_294 = tpu.memref_slice %arg12[%mul3A_189] : memref<14464xi32, #tpu.memory_space<vmem>> -> memref<128xi32, #tpu.memory_space<vmem>>
      %dma_wait3A_295 = arith.constant 0 : i32
      %dma_wait3A_296 = arith.constant 0 : i32
      %dma_wait3A_297 = tpu.memref_slice %arg2[%dma_wait3A_295, %dma_wait3A_296] : memref<200000x64xbf16, #tpu.memory_space<hbm>> -> memref<200000x64xbf16, #tpu.memory_space<hbm>>
      tpu.wait_indirect_dma semaphore(%arg16 : memref<!tpu.dma_semaphore, #tpu.memory_space<semaphore_mem>>) src(%dma_wait3A_297 : memref<200000x64xbf16, #tpu.memory_space<hbm>>) dst(%dma_wait3A_293 : memref<128x64xbf16, #tpu.memory_space<vmem>>)
      %dma_wait3A_298 = arith.constant 1 : i32
      %dma_wait3A_299 = arith.constant 0 : i32
      %dma_wait3A_300 = arith.constant 0 : i32
      %dma_wait3A_301 = tpu.memref_slice %arg13[%dma_wait3A_298, %dma_wait3A_299, %dma_wait3A_300] : memref<7x128x64xbf16, #tpu.memory_space<vmem>> -> memref<1x128x64xbf16, #tpu.memory_space<vmem>>
      %dma_wait3A_302 = tpu.memref_squeeze %dma_wait3A_301 : memref<1x128x64xbf16, #tpu.memory_space<vmem>> -> memref<128x64xbf16, #tpu.memory_space<vmem>>
      %dma_wait3A_303 = tpu.memref_slice %arg12[%mul3A_195] : memref<14464xi32, #tpu.memory_space<vmem>> -> memref<128xi32, #tpu.memory_space<vmem>>
      %dma_wait3A_304 = arith.constant 0 : i32
      %dma_wait3A_305 = arith.constant 0 : i32
      %dma_wait3A_306 = tpu.memref_slice %arg2[%dma_wait3A_304, %dma_wait3A_305] : memref<200000x64xbf16, #tpu.memory_space<hbm>> -> memref<200000x64xbf16, #tpu.memory_space<hbm>>
      tpu.wait_indirect_dma semaphore(%arg16 : memref<!tpu.dma_semaphore, #tpu.memory_space<semaphore_mem>>) src(%dma_wait3A_306 : memref<200000x64xbf16, #tpu.memory_space<hbm>>) dst(%dma_wait3A_302 : memref<128x64xbf16, #tpu.memory_space<vmem>>)
      %dma_wait3A_307 = arith.constant 2 : i32
      %dma_wait3A_308 = arith.constant 0 : i32
      %dma_wait3A_309 = arith.constant 0 : i32
      %dma_wait3A_310 = tpu.memref_slice %arg13[%dma_wait3A_307, %dma_wait3A_308, %dma_wait3A_309] : memref<7x128x64xbf16, #tpu.memory_space<vmem>> -> memref<1x128x64xbf16, #tpu.memory_space<vmem>>
      %dma_wait3A_311 = tpu.memref_squeeze %dma_wait3A_310 : memref<1x128x64xbf16, #tpu.memory_space<vmem>> -> memref<128x64xbf16, #tpu.memory_space<vmem>>
      %dma_wait3A_312 = tpu.memref_slice %arg12[%mul3A_201] : memref<14464xi32, #tpu.memory_space<vmem>> -> memref<128xi32, #tpu.memory_space<vmem>>
      %dma_wait3A_313 = arith.constant 0 : i32
      %dma_wait3A_314 = arith.constant 0 : i32
      %dma_wait3A_315 = tpu.memref_slice %arg2[%dma_wait3A_313, %dma_wait3A_314] : memref<200000x64xbf16, #tpu.memory_space<hbm>> -> memref<200000x64xbf16, #tpu.memory_space<hbm>>
      tpu.wait_indirect_dma semaphore(%arg16 : memref<!tpu.dma_semaphore, #tpu.memory_space<semaphore_mem>>) src(%dma_wait3A_315 : memref<200000x64xbf16, #tpu.memory_space<hbm>>) dst(%dma_wait3A_311 : memref<128x64xbf16, #tpu.memory_space<vmem>>)
      %dma_wait3A_316 = arith.constant 3 : i32
      %dma_wait3A_317 = arith.constant 0 : i32
      %dma_wait3A_318 = arith.constant 0 : i32
      %dma_wait3A_319 = tpu.memref_slice %arg13[%dma_wait3A_316, %dma_wait3A_317, %dma_wait3A_318] : memref<7x128x64xbf16, #tpu.memory_space<vmem>> -> memref<1x128x64xbf16, #tpu.memory_space<vmem>>
      %dma_wait3A_320 = tpu.memref_squeeze %dma_wait3A_319 : memref<1x128x64xbf16, #tpu.memory_space<vmem>> -> memref<128x64xbf16, #tpu.memory_space<vmem>>
      %dma_wait3A_321 = tpu.memref_slice %arg12[%mul3A_207] : memref<14464xi32, #tpu.memory_space<vmem>> -> memref<128xi32, #tpu.memory_space<vmem>>
      %dma_wait3A_322 = arith.constant 0 : i32
      %dma_wait3A_323 = arith.constant 0 : i32
      %dma_wait3A_324 = tpu.memref_slice %arg2[%dma_wait3A_322, %dma_wait3A_323] : memref<200000x64xbf16, #tpu.memory_space<hbm>> -> memref<200000x64xbf16, #tpu.memory_space<hbm>>
      tpu.wait_indirect_dma semaphore(%arg16 : memref<!tpu.dma_semaphore, #tpu.memory_space<semaphore_mem>>) src(%dma_wait3A_324 : memref<200000x64xbf16, #tpu.memory_space<hbm>>) dst(%dma_wait3A_320 : memref<128x64xbf16, #tpu.memory_space<vmem>>)
      %dma_wait3A_325 = arith.constant 4 : i32
      %dma_wait3A_326 = arith.constant 0 : i32
      %dma_wait3A_327 = arith.constant 0 : i32
      %dma_wait3A_328 = tpu.memref_slice %arg13[%dma_wait3A_325, %dma_wait3A_326, %dma_wait3A_327] : memref<7x128x64xbf16, #tpu.memory_space<vmem>> -> memref<1x128x64xbf16, #tpu.memory_space<vmem>>
      %dma_wait3A_329 = tpu.memref_squeeze %dma_wait3A_328 : memref<1x128x64xbf16, #tpu.memory_space<vmem>> -> memref<128x64xbf16, #tpu.memory_space<vmem>>
      %dma_wait3A_330 = tpu.memref_slice %arg12[%mul3A_213] : memref<14464xi32, #tpu.memory_space<vmem>> -> memref<128xi32, #tpu.memory_space<vmem>>
      %dma_wait3A_331 = arith.constant 0 : i32
      %dma_wait3A_332 = arith.constant 0 : i32
      %dma_wait3A_333 = tpu.memref_slice %arg2[%dma_wait3A_331, %dma_wait3A_332] : memref<200000x64xbf16, #tpu.memory_space<hbm>> -> memref<200000x64xbf16, #tpu.memory_space<hbm>>
      tpu.wait_indirect_dma semaphore(%arg16 : memref<!tpu.dma_semaphore, #tpu.memory_space<semaphore_mem>>) src(%dma_wait3A_333 : memref<200000x64xbf16, #tpu.memory_space<hbm>>) dst(%dma_wait3A_329 : memref<128x64xbf16, #tpu.memory_space<vmem>>)
      %dma_wait3A_334 = arith.constant 5 : i32
      %dma_wait3A_335 = arith.constant 0 : i32
      %dma_wait3A_336 = arith.constant 0 : i32
      %dma_wait3A_337 = tpu.memref_slice %arg13[%dma_wait3A_334, %dma_wait3A_335, %dma_wait3A_336] : memref<7x128x64xbf16, #tpu.memory_space<vmem>> -> memref<1x128x64xbf16, #tpu.memory_space<vmem>>
      %dma_wait3A_338 = tpu.memref_squeeze %dma_wait3A_337 : memref<1x128x64xbf16, #tpu.memory_space<vmem>> -> memref<128x64xbf16, #tpu.memory_space<vmem>>
      %dma_wait3A_339 = tpu.memref_slice %arg12[%mul3A_219] : memref<14464xi32, #tpu.memory_space<vmem>> -> memref<128xi32, #tpu.memory_space<vmem>>
      %dma_wait3A_340 = arith.constant 0 : i32
      %dma_wait3A_341 = arith.constant 0 : i32
      %dma_wait3A_342 = tpu.memref_slice %arg2[%dma_wait3A_340, %dma_wait3A_341] : memref<200000x64xbf16, #tpu.memory_space<hbm>> -> memref<200000x64xbf16, #tpu.memory_space<hbm>>
      tpu.wait_indirect_dma semaphore(%arg16 : memref<!tpu.dma_semaphore, #tpu.memory_space<semaphore_mem>>) src(%dma_wait3A_342 : memref<200000x64xbf16, #tpu.memory_space<hbm>>) dst(%dma_wait3A_338 : memref<128x64xbf16, #tpu.memory_space<vmem>>)
      %dma_wait3A_343 = arith.constant 6 : i32
      %dma_wait3A_344 = arith.constant 0 : i32
      %dma_wait3A_345 = arith.constant 0 : i32
      %dma_wait3A_346 = tpu.memref_slice %arg13[%dma_wait3A_343, %dma_wait3A_344, %dma_wait3A_345] : memref<7x128x64xbf16, #tpu.memory_space<vmem>> -> memref<1x128x64xbf16, #tpu.memory_space<vmem>>
      %dma_wait3A_347 = tpu.memref_squeeze %dma_wait3A_346 : memref<1x128x64xbf16, #tpu.memory_space<vmem>> -> memref<128x64xbf16, #tpu.memory_space<vmem>>
      %dma_wait3A_348 = tpu.memref_slice %arg12[%mul3A_225] : memref<14464xi32, #tpu.memory_space<vmem>> -> memref<128xi32, #tpu.memory_space<vmem>>
      %dma_wait3A_349 = arith.constant 0 : i32
      %dma_wait3A_350 = arith.constant 0 : i32
      %dma_wait3A_351 = tpu.memref_slice %arg2[%dma_wait3A_349, %dma_wait3A_350] : memref<200000x64xbf16, #tpu.memory_space<hbm>> -> memref<200000x64xbf16, #tpu.memory_space<hbm>>
      tpu.wait_indirect_dma semaphore(%arg16 : memref<!tpu.dma_semaphore, #tpu.memory_space<semaphore_mem>>) src(%dma_wait3A_351 : memref<200000x64xbf16, #tpu.memory_space<hbm>>) dst(%dma_wait3A_347 : memref<128x64xbf16, #tpu.memory_space<vmem>>)
      %mul3A_352 = arith.constant 7 : i32
      %mul3A_353 = arith.muli %scan3A_183, %mul3A_352 : i32
      %add3A_354 = arith.addi %mul3A_2, %mul3A_353 : i32
      "tpu.region"() ({
        %run_scoped3A = tpu.sem_alloc : memref<!tpu.dma_semaphore, #tpu.memory_space<semaphore_mem>>
        %dma_start3A_355 = arith.constant 0 : i32
        %dma_start3A_356 = arith.constant 0 : i32
        %dma_start3A_357 = arith.constant 0 : i32
        %dma_start3A_358 = tpu.memref_slice %arg13[%dma_start3A_355, %dma_start3A_356, %dma_start3A_357] : memref<7x128x64xbf16, #tpu.memory_space<vmem>> -> memref<7x128x64xbf16, #tpu.memory_space<vmem>>
        %dma_start3A_359 = arith.constant 0 : i32
        %dma_start3A_360 = arith.constant 0 : i32
        %dma_start3A_361 = tpu.memref_slice %arg8[%add3A_354, %dma_start3A_359, %dma_start3A_360] : memref<3616x128x64xbf16, #tpu.memory_space<hbm>> -> memref<7x128x64xbf16, #tpu.memory_space<hbm>>
        %dma_start3A_362 = arith.constant 0 : i32
        %dma_start3A_363 = arith.constant 0 : i32
        %dma_start3A_364 = tpu.memref_slice %arg8[%add3A_354, %dma_start3A_362, %dma_start3A_363] : memref<3616x128x64xbf16, #tpu.memory_space<hbm>> -> memref<7x128x64xbf16, #tpu.memory_space<hbm>>
        %dma_start3A_365 = arith.constant 0 : i32
        %dma_start3A_366 = arith.constant 0 : i32
        %dma_start3A_367 = arith.constant 0 : i32
        %dma_start3A_368 = tpu.memref_slice %arg13[%dma_start3A_365, %dma_start3A_366, %dma_start3A_367] : memref<7x128x64xbf16, #tpu.memory_space<vmem>> -> memref<7x128x64xbf16, #tpu.memory_space<vmem>>
        tpu.enqueue_dma source(%dma_start3A_368 : memref<7x128x64xbf16, #tpu.memory_space<vmem>>) target(%dma_start3A_364 : memref<7x128x64xbf16, #tpu.memory_space<hbm>>) target_semaphore(%run_scoped3A : memref<!tpu.dma_semaphore, #tpu.memory_space<semaphore_mem>>)
        %dma_wait3A_369 = arith.constant 0 : i32
        %dma_wait3A_370 = arith.constant 0 : i32
        %dma_wait3A_371 = arith.constant 0 : i32
        %dma_wait3A_372 = tpu.memref_slice %arg13[%dma_wait3A_369, %dma_wait3A_370, %dma_wait3A_371] : memref<7x128x64xbf16, #tpu.memory_space<vmem>> -> memref<7x128x64xbf16, #tpu.memory_space<vmem>>
        %dma_wait3A_373 = arith.constant 0 : i32
        %dma_wait3A_374 = arith.constant 0 : i32
        %dma_wait3A_375 = tpu.memref_slice %arg8[%add3A_354, %dma_wait3A_373, %dma_wait3A_374] : memref<3616x128x64xbf16, #tpu.memory_space<hbm>> -> memref<7x128x64xbf16, #tpu.memory_space<hbm>>
        %dma_wait3A_376 = arith.constant 0 : i32
        %dma_wait3A_377 = arith.constant 0 : i32
        %dma_wait3A_378 = tpu.memref_slice %arg8[%add3A_354, %dma_wait3A_376, %dma_wait3A_377] : memref<3616x128x64xbf16, #tpu.memory_space<hbm>> -> memref<7x128x64xbf16, #tpu.memory_space<hbm>>
        %dma_wait3A_379 = arith.constant 0 : i32
        %dma_wait3A_380 = arith.constant 0 : i32
        %dma_wait3A_381 = arith.constant 0 : i32
        %dma_wait3A_382 = tpu.memref_slice %arg13[%dma_wait3A_379, %dma_wait3A_380, %dma_wait3A_381] : memref<7x128x64xbf16, #tpu.memory_space<vmem>> -> memref<7x128x64xbf16, #tpu.memory_space<vmem>>
        tpu.wait_dma2 semaphore(%run_scoped3A : memref<!tpu.dma_semaphore, #tpu.memory_space<semaphore_mem>>) src(%dma_wait3A_382 : memref<7x128x64xbf16, #tpu.memory_space<vmem>>) dst(%dma_wait3A_378 : memref<7x128x64xbf16, #tpu.memory_space<hbm>>)
        tpu.yield
      }) : () -> ()
    }
    %scan3A_9 = arith.constant 16 : i32
    %dma_start3A = arith.constant 0 : i32
    %dma_start3A_10 = arith.constant 0 : i32
    %dma_start3A_11 = arith.constant 0 : i32
    %dma_start3A_12 = tpu.memref_slice %arg13[%dma_start3A, %dma_start3A_10, %dma_start3A_11] : memref<7x128x64xbf16, #tpu.memory_space<vmem>> -> memref<1x128x64xbf16, #tpu.memory_space<vmem>>
    %dma_start3A_13 = tpu.memref_squeeze %dma_start3A_12 : memref<1x128x64xbf16, #tpu.memory_space<vmem>> -> memref<128x64xbf16, #tpu.memory_space<vmem>>
    %dma_start3A_14 = arith.constant 14336 : i32
    %dma_start3A_15 = tpu.memref_slice %arg12[%dma_start3A_14] : memref<14464xi32, #tpu.memory_space<vmem>> -> memref<128xi32, #tpu.memory_space<vmem>>
    %dma_start3A_16 = arith.constant 0 : i32
    %dma_start3A_17 = arith.constant 0 : i32
    %dma_start3A_18 = tpu.memref_slice %arg2[%dma_start3A_16, %dma_start3A_17] : memref<200000x64xbf16, #tpu.memory_space<hbm>> -> memref<200000x64xbf16, #tpu.memory_space<hbm>>
    tpu.enqueue_indirect_dma source(%dma_start3A_18 : memref<200000x64xbf16, #tpu.memory_space<hbm>>) target(%dma_start3A_13 : memref<128x64xbf16, #tpu.memory_space<vmem>>) offsets(%dma_start3A_15 : memref<128xi32, #tpu.memory_space<vmem>>) semaphore(%arg16 : memref<!tpu.dma_semaphore, #tpu.memory_space<semaphore_mem>>)
    %dma_wait3A = arith.constant 0 : i32
    %dma_wait3A_19 = arith.constant 0 : i32
    %dma_wait3A_20 = arith.constant 0 : i32
    %dma_wait3A_21 = tpu.memref_slice %arg13[%dma_wait3A, %dma_wait3A_19, %dma_wait3A_20] : memref<7x128x64xbf16, #tpu.memory_space<vmem>> -> memref<1x128x64xbf16, #tpu.memory_space<vmem>>
    %dma_wait3A_22 = tpu.memref_squeeze %dma_wait3A_21 : memref<1x128x64xbf16, #tpu.memory_space<vmem>> -> memref<128x64xbf16, #tpu.memory_space<vmem>>
    %dma_wait3A_23 = arith.constant 14336 : i32
    %dma_wait3A_24 = tpu.memref_slice %arg12[%dma_wait3A_23] : memref<14464xi32, #tpu.memory_space<vmem>> -> memref<128xi32, #tpu.memory_space<vmem>>
    %dma_wait3A_25 = arith.constant 0 : i32
    %dma_wait3A_26 = arith.constant 0 : i32
    %dma_wait3A_27 = tpu.memref_slice %arg2[%dma_wait3A_25, %dma_wait3A_26] : memref<200000x64xbf16, #tpu.memory_space<hbm>> -> memref<200000x64xbf16, #tpu.memory_space<hbm>>
    tpu.wait_indirect_dma semaphore(%arg16 : memref<!tpu.dma_semaphore, #tpu.memory_space<semaphore_mem>>) src(%dma_wait3A_27 : memref<200000x64xbf16, #tpu.memory_space<hbm>>) dst(%dma_wait3A_22 : memref<128x64xbf16, #tpu.memory_space<vmem>>)
    %add3A_28 = arith.constant 112 : i32
    %add3A_29 = arith.addi %mul3A_2, %add3A_28 : i32
    "tpu.region"() ({
      %run_scoped3A = tpu.sem_alloc : memref<!tpu.dma_semaphore, #tpu.memory_space<semaphore_mem>>
      %dma_start3A_183 = arith.constant 0 : i32
      %dma_start3A_184 = arith.constant 0 : i32
      %dma_start3A_185 = arith.constant 0 : i32
      %dma_start3A_186 = tpu.memref_slice %arg13[%dma_start3A_183, %dma_start3A_184, %dma_start3A_185] : memref<7x128x64xbf16, #tpu.memory_space<vmem>> -> memref<1x128x64xbf16, #tpu.memory_space<vmem>>
      %dma_start3A_187 = arith.constant 0 : i32
      %dma_start3A_188 = arith.constant 0 : i32
      %dma_start3A_189 = tpu.memref_slice %arg8[%add3A_29, %dma_start3A_187, %dma_start3A_188] : memref<3616x128x64xbf16, #tpu.memory_space<hbm>> -> memref<1x128x64xbf16, #tpu.memory_space<hbm>>
      %dma_start3A_190 = arith.constant 0 : i32
      %dma_start3A_191 = arith.constant 0 : i32
      %dma_start3A_192 = tpu.memref_slice %arg8[%add3A_29, %dma_start3A_190, %dma_start3A_191] : memref<3616x128x64xbf16, #tpu.memory_space<hbm>> -> memref<1x128x64xbf16, #tpu.memory_space<hbm>>
      %dma_start3A_193 = arith.constant 0 : i32
      %dma_start3A_194 = arith.constant 0 : i32
      %dma_start3A_195 = arith.constant 0 : i32
      %dma_start3A_196 = tpu.memref_slice %arg13[%dma_start3A_193, %dma_start3A_194, %dma_start3A_195] : memref<7x128x64xbf16, #tpu.memory_space<vmem>> -> memref<1x128x64xbf16, #tpu.memory_space<vmem>>
      tpu.enqueue_dma source(%dma_start3A_196 : memref<1x128x64xbf16, #tpu.memory_space<vmem>>) target(%dma_start3A_192 : memref<1x128x64xbf16, #tpu.memory_space<hbm>>) target_semaphore(%run_scoped3A : memref<!tpu.dma_semaphore, #tpu.memory_space<semaphore_mem>>)
      %dma_wait3A_197 = arith.constant 0 : i32
      %dma_wait3A_198 = arith.constant 0 : i32
      %dma_wait3A_199 = arith.constant 0 : i32
      %dma_wait3A_200 = tpu.memref_slice %arg13[%dma_wait3A_197, %dma_wait3A_198, %dma_wait3A_199] : memref<7x128x64xbf16, #tpu.memory_space<vmem>> -> memref<1x128x64xbf16, #tpu.memory_space<vmem>>
      %dma_wait3A_201 = arith.constant 0 : i32
      %dma_wait3A_202 = arith.constant 0 : i32
      %dma_wait3A_203 = tpu.memref_slice %arg8[%add3A_29, %dma_wait3A_201, %dma_wait3A_202] : memref<3616x128x64xbf16, #tpu.memory_space<hbm>> -> memref<1x128x64xbf16, #tpu.memory_space<hbm>>
      %dma_wait3A_204 = arith.constant 0 : i32
      %dma_wait3A_205 = arith.constant 0 : i32
      %dma_wait3A_206 = tpu.memref_slice %arg8[%add3A_29, %dma_wait3A_204, %dma_wait3A_205] : memref<3616x128x64xbf16, #tpu.memory_space<hbm>> -> memref<1x128x64xbf16, #tpu.memory_space<hbm>>
      %dma_wait3A_207 = arith.constant 0 : i32
      %dma_wait3A_208 = arith.constant 0 : i32
      %dma_wait3A_209 = arith.constant 0 : i32
      %dma_wait3A_210 = tpu.memref_slice %arg13[%dma_wait3A_207, %dma_wait3A_208, %dma_wait3A_209] : memref<7x128x64xbf16, #tpu.memory_space<vmem>> -> memref<1x128x64xbf16, #tpu.memory_space<vmem>>
      tpu.wait_dma2 semaphore(%run_scoped3A : memref<!tpu.dma_semaphore, #tpu.memory_space<semaphore_mem>>) src(%dma_wait3A_210 : memref<1x128x64xbf16, #tpu.memory_space<vmem>>) dst(%dma_wait3A_206 : memref<1x128x64xbf16, #tpu.memory_space<hbm>>)
      tpu.yield
    }) : () -> ()
    %mul3A_30 = arith.constant 113 : i32
    %mul3A_31 = arith.muli %add3A, %mul3A_30 : i32
    %mul3A_32 = arith.constant 14464 : i32
    %mul3A_33 = arith.muli %add3A, %mul3A_32 : i32
    "tpu.region"() ({
      %run_scoped3A = tpu.sem_alloc : memref<!tpu.dma_semaphore, #tpu.memory_space<semaphore_mem>>
      %dma_start3A_183 = arith.constant 0 : i32
      %dma_start3A_184 = tpu.memref_slice %arg12[%dma_start3A_183] : memref<14464xi32, #tpu.memory_space<vmem>> -> memref<14464xi32, #tpu.memory_space<vmem>>
      %dma_start3A_185 = tpu.memref_slice %arg5[%mul3A_33] : memref<462848xi32, #tpu.memory_space<hbm>> -> memref<14464xi32, #tpu.memory_space<hbm>>
      %dma_start3A_186 = arith.constant 0 : i32
      %dma_start3A_187 = tpu.memref_slice %arg12[%dma_start3A_186] : memref<14464xi32, #tpu.memory_space<vmem>> -> memref<14464xi32, #tpu.memory_space<vmem>>
      %dma_start3A_188 = tpu.memref_slice %arg5[%mul3A_33] : memref<462848xi32, #tpu.memory_space<hbm>> -> memref<14464xi32, #tpu.memory_space<hbm>>
      tpu.enqueue_dma source(%dma_start3A_188 : memref<14464xi32, #tpu.memory_space<hbm>>) target(%dma_start3A_187 : memref<14464xi32, #tpu.memory_space<vmem>>) target_semaphore(%run_scoped3A : memref<!tpu.dma_semaphore, #tpu.memory_space<semaphore_mem>>)
      %dma_wait3A_189 = arith.constant 0 : i32
      %dma_wait3A_190 = tpu.memref_slice %arg12[%dma_wait3A_189] : memref<14464xi32, #tpu.memory_space<vmem>> -> memref<14464xi32, #tpu.memory_space<vmem>>
      %dma_wait3A_191 = tpu.memref_slice %arg5[%mul3A_33] : memref<462848xi32, #tpu.memory_space<hbm>> -> memref<14464xi32, #tpu.memory_space<hbm>>
      %dma_wait3A_192 = arith.constant 0 : i32
      %dma_wait3A_193 = tpu.memref_slice %arg12[%dma_wait3A_192] : memref<14464xi32, #tpu.memory_space<vmem>> -> memref<14464xi32, #tpu.memory_space<vmem>>
      %dma_wait3A_194 = tpu.memref_slice %arg5[%mul3A_33] : memref<462848xi32, #tpu.memory_space<hbm>> -> memref<14464xi32, #tpu.memory_space<hbm>>
      tpu.wait_dma2 semaphore(%run_scoped3A : memref<!tpu.dma_semaphore, #tpu.memory_space<semaphore_mem>>) src(%dma_wait3A_194 : memref<14464xi32, #tpu.memory_space<hbm>>) dst(%dma_wait3A_193 : memref<14464xi32, #tpu.memory_space<vmem>>)
      tpu.yield
    }) : () -> ()
    %scan3A_34 = arith.constant 0 : i32
    %scan3A_35 = arith.constant 0 : i32
    %scan3A_36 = arith.constant 16 : i32
    %scan3A_37 = arith.addi %scan3A_35, %scan3A_36 : i32
    %scan3A_38 = arith.constant 1 : i32
    scf.for %scan3A_183 = %scan3A_35 to %scan3A_37 step %scan3A_38  : i32 {
      %mul3A_184 = arith.constant 7 : i32
      %mul3A_185 = arith.muli %scan3A_183, %mul3A_184 : i32
      %add3A_186 = arith.constant 0 : i32
      %add3A_187 = arith.addi %mul3A_185, %add3A_186 : i32
      %mul3A_188 = arith.constant 128 : i32
      %mul3A_189 = arith.muli %add3A_187, %mul3A_188 : i32
      %mul3A_190 = arith.constant 7 : i32
      %mul3A_191 = arith.muli %scan3A_183, %mul3A_190 : i32
      %add3A_192 = arith.constant 1 : i32
      %add3A_193 = arith.addi %mul3A_191, %add3A_192 : i32
      %mul3A_194 = arith.constant 128 : i32
      %mul3A_195 = arith.muli %add3A_193, %mul3A_194 : i32
      %mul3A_196 = arith.constant 7 : i32
      %mul3A_197 = arith.muli %scan3A_183, %mul3A_196 : i32
      %add3A_198 = arith.constant 2 : i32
      %add3A_199 = arith.addi %mul3A_197, %add3A_198 : i32
      %mul3A_200 = arith.constant 128 : i32
      %mul3A_201 = arith.muli %add3A_199, %mul3A_200 : i32
      %mul3A_202 = arith.constant 7 : i32
      %mul3A_203 = arith.muli %scan3A_183, %mul3A_202 : i32
      %add3A_204 = arith.constant 3 : i32
      %add3A_205 = arith.addi %mul3A_203, %add3A_204 : i32
      %mul3A_206 = arith.constant 128 : i32
      %mul3A_207 = arith.muli %add3A_205, %mul3A_206 : i32
      %mul3A_208 = arith.constant 7 : i32
      %mul3A_209 = arith.muli %scan3A_183, %mul3A_208 : i32
      %add3A_210 = arith.constant 4 : i32
      %add3A_211 = arith.addi %mul3A_209, %add3A_210 : i32
      %mul3A_212 = arith.constant 128 : i32
      %mul3A_213 = arith.muli %add3A_211, %mul3A_212 : i32
      %mul3A_214 = arith.constant 7 : i32
      %mul3A_215 = arith.muli %scan3A_183, %mul3A_214 : i32
      %add3A_216 = arith.constant 5 : i32
      %add3A_217 = arith.addi %mul3A_215, %add3A_216 : i32
      %mul3A_218 = arith.constant 128 : i32
      %mul3A_219 = arith.muli %add3A_217, %mul3A_218 : i32
      %mul3A_220 = arith.constant 7 : i32
      %mul3A_221 = arith.muli %scan3A_183, %mul3A_220 : i32
      %add3A_222 = arith.constant 6 : i32
      %add3A_223 = arith.addi %mul3A_221, %add3A_222 : i32
      %mul3A_224 = arith.constant 128 : i32
      %mul3A_225 = arith.muli %add3A_223, %mul3A_224 : i32
      %dma_start3A_226 = arith.constant 0 : i32
      %dma_start3A_227 = arith.constant 0 : i32
      %dma_start3A_228 = arith.constant 0 : i32
      %dma_start3A_229 = tpu.memref_slice %arg13[%dma_start3A_226, %dma_start3A_227, %dma_start3A_228] : memref<7x128x64xbf16, #tpu.memory_space<vmem>> -> memref<1x128x64xbf16, #tpu.memory_space<vmem>>
      %dma_start3A_230 = tpu.memref_squeeze %dma_start3A_229 : memref<1x128x64xbf16, #tpu.memory_space<vmem>> -> memref<128x64xbf16, #tpu.memory_space<vmem>>
      %dma_start3A_231 = tpu.memref_slice %arg12[%mul3A_189] : memref<14464xi32, #tpu.memory_space<vmem>> -> memref<128xi32, #tpu.memory_space<vmem>>
      %dma_start3A_232 = arith.constant 0 : i32
      %dma_start3A_233 = arith.constant 0 : i32
      %dma_start3A_234 = tpu.memref_slice %arg2[%dma_start3A_232, %dma_start3A_233] : memref<200000x64xbf16, #tpu.memory_space<hbm>> -> memref<200000x64xbf16, #tpu.memory_space<hbm>>
      tpu.enqueue_indirect_dma source(%dma_start3A_234 : memref<200000x64xbf16, #tpu.memory_space<hbm>>) target(%dma_start3A_230 : memref<128x64xbf16, #tpu.memory_space<vmem>>) offsets(%dma_start3A_231 : memref<128xi32, #tpu.memory_space<vmem>>) semaphore(%arg16 : memref<!tpu.dma_semaphore, #tpu.memory_space<semaphore_mem>>)
      %dma_start3A_235 = arith.constant 1 : i32
      %dma_start3A_236 = arith.constant 0 : i32
      %dma_start3A_237 = arith.constant 0 : i32
      %dma_start3A_238 = tpu.memref_slice %arg13[%dma_start3A_235, %dma_start3A_236, %dma_start3A_237] : memref<7x128x64xbf16, #tpu.memory_space<vmem>> -> memref<1x128x64xbf16, #tpu.memory_space<vmem>>
      %dma_start3A_239 = tpu.memref_squeeze %dma_start3A_238 : memref<1x128x64xbf16, #tpu.memory_space<vmem>> -> memref<128x64xbf16, #tpu.memory_space<vmem>>
      %dma_start3A_240 = tpu.memref_slice %arg12[%mul3A_195] : memref<14464xi32, #tpu.memory_space<vmem>> -> memref<128xi32, #tpu.memory_space<vmem>>
      %dma_start3A_241 = arith.constant 0 : i32
      %dma_start3A_242 = arith.constant 0 : i32
      %dma_start3A_243 = tpu.memref_slice %arg2[%dma_start3A_241, %dma_start3A_242] : memref<200000x64xbf16, #tpu.memory_space<hbm>> -> memref<200000x64xbf16, #tpu.memory_space<hbm>>
      tpu.enqueue_indirect_dma source(%dma_start3A_243 : memref<200000x64xbf16, #tpu.memory_space<hbm>>) target(%dma_start3A_239 : memref<128x64xbf16, #tpu.memory_space<vmem>>) offsets(%dma_start3A_240 : memref<128xi32, #tpu.memory_space<vmem>>) semaphore(%arg16 : memref<!tpu.dma_semaphore, #tpu.memory_space<semaphore_mem>>)
      %dma_start3A_244 = arith.constant 2 : i32
      %dma_start3A_245 = arith.constant 0 : i32
      %dma_start3A_246 = arith.constant 0 : i32
      %dma_start3A_247 = tpu.memref_slice %arg13[%dma_start3A_244, %dma_start3A_245, %dma_start3A_246] : memref<7x128x64xbf16, #tpu.memory_space<vmem>> -> memref<1x128x64xbf16, #tpu.memory_space<vmem>>
      %dma_start3A_248 = tpu.memref_squeeze %dma_start3A_247 : memref<1x128x64xbf16, #tpu.memory_space<vmem>> -> memref<128x64xbf16, #tpu.memory_space<vmem>>
      %dma_start3A_249 = tpu.memref_slice %arg12[%mul3A_201] : memref<14464xi32, #tpu.memory_space<vmem>> -> memref<128xi32, #tpu.memory_space<vmem>>
      %dma_start3A_250 = arith.constant 0 : i32
      %dma_start3A_251 = arith.constant 0 : i32
      %dma_start3A_252 = tpu.memref_slice %arg2[%dma_start3A_250, %dma_start3A_251] : memref<200000x64xbf16, #tpu.memory_space<hbm>> -> memref<200000x64xbf16, #tpu.memory_space<hbm>>
      tpu.enqueue_indirect_dma source(%dma_start3A_252 : memref<200000x64xbf16, #tpu.memory_space<hbm>>) target(%dma_start3A_248 : memref<128x64xbf16, #tpu.memory_space<vmem>>) offsets(%dma_start3A_249 : memref<128xi32, #tpu.memory_space<vmem>>) semaphore(%arg16 : memref<!tpu.dma_semaphore, #tpu.memory_space<semaphore_mem>>)
      %dma_start3A_253 = arith.constant 3 : i32
      %dma_start3A_254 = arith.constant 0 : i32
      %dma_start3A_255 = arith.constant 0 : i32
      %dma_start3A_256 = tpu.memref_slice %arg13[%dma_start3A_253, %dma_start3A_254, %dma_start3A_255] : memref<7x128x64xbf16, #tpu.memory_space<vmem>> -> memref<1x128x64xbf16, #tpu.memory_space<vmem>>
      %dma_start3A_257 = tpu.memref_squeeze %dma_start3A_256 : memref<1x128x64xbf16, #tpu.memory_space<vmem>> -> memref<128x64xbf16, #tpu.memory_space<vmem>>
      %dma_start3A_258 = tpu.memref_slice %arg12[%mul3A_207] : memref<14464xi32, #tpu.memory_space<vmem>> -> memref<128xi32, #tpu.memory_space<vmem>>
      %dma_start3A_259 = arith.constant 0 : i32
      %dma_start3A_260 = arith.constant 0 : i32
      %dma_start3A_261 = tpu.memref_slice %arg2[%dma_start3A_259, %dma_start3A_260] : memref<200000x64xbf16, #tpu.memory_space<hbm>> -> memref<200000x64xbf16, #tpu.memory_space<hbm>>
      tpu.enqueue_indirect_dma source(%dma_start3A_261 : memref<200000x64xbf16, #tpu.memory_space<hbm>>) target(%dma_start3A_257 : memref<128x64xbf16, #tpu.memory_space<vmem>>) offsets(%dma_start3A_258 : memref<128xi32, #tpu.memory_space<vmem>>) semaphore(%arg16 : memref<!tpu.dma_semaphore, #tpu.memory_space<semaphore_mem>>)
      %dma_start3A_262 = arith.constant 4 : i32
      %dma_start3A_263 = arith.constant 0 : i32
      %dma_start3A_264 = arith.constant 0 : i32
      %dma_start3A_265 = tpu.memref_slice %arg13[%dma_start3A_262, %dma_start3A_263, %dma_start3A_264] : memref<7x128x64xbf16, #tpu.memory_space<vmem>> -> memref<1x128x64xbf16, #tpu.memory_space<vmem>>
      %dma_start3A_266 = tpu.memref_squeeze %dma_start3A_265 : memref<1x128x64xbf16, #tpu.memory_space<vmem>> -> memref<128x64xbf16, #tpu.memory_space<vmem>>
      %dma_start3A_267 = tpu.memref_slice %arg12[%mul3A_213] : memref<14464xi32, #tpu.memory_space<vmem>> -> memref<128xi32, #tpu.memory_space<vmem>>
      %dma_start3A_268 = arith.constant 0 : i32
      %dma_start3A_269 = arith.constant 0 : i32
      %dma_start3A_270 = tpu.memref_slice %arg2[%dma_start3A_268, %dma_start3A_269] : memref<200000x64xbf16, #tpu.memory_space<hbm>> -> memref<200000x64xbf16, #tpu.memory_space<hbm>>
      tpu.enqueue_indirect_dma source(%dma_start3A_270 : memref<200000x64xbf16, #tpu.memory_space<hbm>>) target(%dma_start3A_266 : memref<128x64xbf16, #tpu.memory_space<vmem>>) offsets(%dma_start3A_267 : memref<128xi32, #tpu.memory_space<vmem>>) semaphore(%arg16 : memref<!tpu.dma_semaphore, #tpu.memory_space<semaphore_mem>>)
      %dma_start3A_271 = arith.constant 5 : i32
      %dma_start3A_272 = arith.constant 0 : i32
      %dma_start3A_273 = arith.constant 0 : i32
      %dma_start3A_274 = tpu.memref_slice %arg13[%dma_start3A_271, %dma_start3A_272, %dma_start3A_273] : memref<7x128x64xbf16, #tpu.memory_space<vmem>> -> memref<1x128x64xbf16, #tpu.memory_space<vmem>>
      %dma_start3A_275 = tpu.memref_squeeze %dma_start3A_274 : memref<1x128x64xbf16, #tpu.memory_space<vmem>> -> memref<128x64xbf16, #tpu.memory_space<vmem>>
      %dma_start3A_276 = tpu.memref_slice %arg12[%mul3A_219] : memref<14464xi32, #tpu.memory_space<vmem>> -> memref<128xi32, #tpu.memory_space<vmem>>
      %dma_start3A_277 = arith.constant 0 : i32
      %dma_start3A_278 = arith.constant 0 : i32
      %dma_start3A_279 = tpu.memref_slice %arg2[%dma_start3A_277, %dma_start3A_278] : memref<200000x64xbf16, #tpu.memory_space<hbm>> -> memref<200000x64xbf16, #tpu.memory_space<hbm>>
      tpu.enqueue_indirect_dma source(%dma_start3A_279 : memref<200000x64xbf16, #tpu.memory_space<hbm>>) target(%dma_start3A_275 : memref<128x64xbf16, #tpu.memory_space<vmem>>) offsets(%dma_start3A_276 : memref<128xi32, #tpu.memory_space<vmem>>) semaphore(%arg16 : memref<!tpu.dma_semaphore, #tpu.memory_space<semaphore_mem>>)
      %dma_start3A_280 = arith.constant 6 : i32
      %dma_start3A_281 = arith.constant 0 : i32
      %dma_start3A_282 = arith.constant 0 : i32
      %dma_start3A_283 = tpu.memref_slice %arg13[%dma_start3A_280, %dma_start3A_281, %dma_start3A_282] : memref<7x128x64xbf16, #tpu.memory_space<vmem>> -> memref<1x128x64xbf16, #tpu.memory_space<vmem>>
      %dma_start3A_284 = tpu.memref_squeeze %dma_start3A_283 : memref<1x128x64xbf16, #tpu.memory_space<vmem>> -> memref<128x64xbf16, #tpu.memory_space<vmem>>
      %dma_start3A_285 = tpu.memref_slice %arg12[%mul3A_225] : memref<14464xi32, #tpu.memory_space<vmem>> -> memref<128xi32, #tpu.memory_space<vmem>>
      %dma_start3A_286 = arith.constant 0 : i32
      %dma_start3A_287 = arith.constant 0 : i32
      %dma_start3A_288 = tpu.memref_slice %arg2[%dma_start3A_286, %dma_start3A_287] : memref<200000x64xbf16, #tpu.memory_space<hbm>> -> memref<200000x64xbf16, #tpu.memory_space<hbm>>
      tpu.enqueue_indirect_dma source(%dma_start3A_288 : memref<200000x64xbf16, #tpu.memory_space<hbm>>) target(%dma_start3A_284 : memref<128x64xbf16, #tpu.memory_space<vmem>>) offsets(%dma_start3A_285 : memref<128xi32, #tpu.memory_space<vmem>>) semaphore(%arg16 : memref<!tpu.dma_semaphore, #tpu.memory_space<semaphore_mem>>)
      %dma_wait3A_289 = arith.constant 0 : i32
      %dma_wait3A_290 = arith.constant 0 : i32
      %dma_wait3A_291 = arith.constant 0 : i32
      %dma_wait3A_292 = tpu.memref_slice %arg13[%dma_wait3A_289, %dma_wait3A_290, %dma_wait3A_291] : memref<7x128x64xbf16, #tpu.memory_space<vmem>> -> memref<1x128x64xbf16, #tpu.memory_space<vmem>>
      %dma_wait3A_293 = tpu.memref_squeeze %dma_wait3A_292 : memref<1x128x64xbf16, #tpu.memory_space<vmem>> -> memref<128x64xbf16, #tpu.memory_space<vmem>>
      %dma_wait3A_294 = tpu.memref_slice %arg12[%mul3A_189] : memref<14464xi32, #tpu.memory_space<vmem>> -> memref<128xi32, #tpu.memory_space<vmem>>
      %dma_wait3A_295 = arith.constant 0 : i32
      %dma_wait3A_296 = arith.constant 0 : i32
      %dma_wait3A_297 = tpu.memref_slice %arg2[%dma_wait3A_295, %dma_wait3A_296] : memref<200000x64xbf16, #tpu.memory_space<hbm>> -> memref<200000x64xbf16, #tpu.memory_space<hbm>>
      tpu.wait_indirect_dma semaphore(%arg16 : memref<!tpu.dma_semaphore, #tpu.memory_space<semaphore_mem>>) src(%dma_wait3A_297 : memref<200000x64xbf16, #tpu.memory_space<hbm>>) dst(%dma_wait3A_293 : memref<128x64xbf16, #tpu.memory_space<vmem>>)
      %dma_wait3A_298 = arith.constant 1 : i32
      %dma_wait3A_299 = arith.constant 0 : i32
      %dma_wait3A_300 = arith.constant 0 : i32
      %dma_wait3A_301 = tpu.memref_slice %arg13[%dma_wait3A_298, %dma_wait3A_299, %dma_wait3A_300] : memref<7x128x64xbf16, #tpu.memory_space<vmem>> -> memref<1x128x64xbf16, #tpu.memory_space<vmem>>
      %dma_wait3A_302 = tpu.memref_squeeze %dma_wait3A_301 : memref<1x128x64xbf16, #tpu.memory_space<vmem>> -> memref<128x64xbf16, #tpu.memory_space<vmem>>
      %dma_wait3A_303 = tpu.memref_slice %arg12[%mul3A_195] : memref<14464xi32, #tpu.memory_space<vmem>> -> memref<128xi32, #tpu.memory_space<vmem>>
      %dma_wait3A_304 = arith.constant 0 : i32
      %dma_wait3A_305 = arith.constant 0 : i32
      %dma_wait3A_306 = tpu.memref_slice %arg2[%dma_wait3A_304, %dma_wait3A_305] : memref<200000x64xbf16, #tpu.memory_space<hbm>> -> memref<200000x64xbf16, #tpu.memory_space<hbm>>
      tpu.wait_indirect_dma semaphore(%arg16 : memref<!tpu.dma_semaphore, #tpu.memory_space<semaphore_mem>>) src(%dma_wait3A_306 : memref<200000x64xbf16, #tpu.memory_space<hbm>>) dst(%dma_wait3A_302 : memref<128x64xbf16, #tpu.memory_space<vmem>>)
      %dma_wait3A_307 = arith.constant 2 : i32
      %dma_wait3A_308 = arith.constant 0 : i32
      %dma_wait3A_309 = arith.constant 0 : i32
      %dma_wait3A_310 = tpu.memref_slice %arg13[%dma_wait3A_307, %dma_wait3A_308, %dma_wait3A_309] : memref<7x128x64xbf16, #tpu.memory_space<vmem>> -> memref<1x128x64xbf16, #tpu.memory_space<vmem>>
      %dma_wait3A_311 = tpu.memref_squeeze %dma_wait3A_310 : memref<1x128x64xbf16, #tpu.memory_space<vmem>> -> memref<128x64xbf16, #tpu.memory_space<vmem>>
      %dma_wait3A_312 = tpu.memref_slice %arg12[%mul3A_201] : memref<14464xi32, #tpu.memory_space<vmem>> -> memref<128xi32, #tpu.memory_space<vmem>>
      %dma_wait3A_313 = arith.constant 0 : i32
      %dma_wait3A_314 = arith.constant 0 : i32
      %dma_wait3A_315 = tpu.memref_slice %arg2[%dma_wait3A_313, %dma_wait3A_314] : memref<200000x64xbf16, #tpu.memory_space<hbm>> -> memref<200000x64xbf16, #tpu.memory_space<hbm>>
      tpu.wait_indirect_dma semaphore(%arg16 : memref<!tpu.dma_semaphore, #tpu.memory_space<semaphore_mem>>) src(%dma_wait3A_315 : memref<200000x64xbf16, #tpu.memory_space<hbm>>) dst(%dma_wait3A_311 : memref<128x64xbf16, #tpu.memory_space<vmem>>)
      %dma_wait3A_316 = arith.constant 3 : i32
      %dma_wait3A_317 = arith.constant 0 : i32
      %dma_wait3A_318 = arith.constant 0 : i32
      %dma_wait3A_319 = tpu.memref_slice %arg13[%dma_wait3A_316, %dma_wait3A_317, %dma_wait3A_318] : memref<7x128x64xbf16, #tpu.memory_space<vmem>> -> memref<1x128x64xbf16, #tpu.memory_space<vmem>>
      %dma_wait3A_320 = tpu.memref_squeeze %dma_wait3A_319 : memref<1x128x64xbf16, #tpu.memory_space<vmem>> -> memref<128x64xbf16, #tpu.memory_space<vmem>>
      %dma_wait3A_321 = tpu.memref_slice %arg12[%mul3A_207] : memref<14464xi32, #tpu.memory_space<vmem>> -> memref<128xi32, #tpu.memory_space<vmem>>
      %dma_wait3A_322 = arith.constant 0 : i32
      %dma_wait3A_323 = arith.constant 0 : i32
      %dma_wait3A_324 = tpu.memref_slice %arg2[%dma_wait3A_322, %dma_wait3A_323] : memref<200000x64xbf16, #tpu.memory_space<hbm>> -> memref<200000x64xbf16, #tpu.memory_space<hbm>>
      tpu.wait_indirect_dma semaphore(%arg16 : memref<!tpu.dma_semaphore, #tpu.memory_space<semaphore_mem>>) src(%dma_wait3A_324 : memref<200000x64xbf16, #tpu.memory_space<hbm>>) dst(%dma_wait3A_320 : memref<128x64xbf16, #tpu.memory_space<vmem>>)
      %dma_wait3A_325 = arith.constant 4 : i32
      %dma_wait3A_326 = arith.constant 0 : i32
      %dma_wait3A_327 = arith.constant 0 : i32
      %dma_wait3A_328 = tpu.memref_slice %arg13[%dma_wait3A_325, %dma_wait3A_326, %dma_wait3A_327] : memref<7x128x64xbf16, #tpu.memory_space<vmem>> -> memref<1x128x64xbf16, #tpu.memory_space<vmem>>
      %dma_wait3A_329 = tpu.memref_squeeze %dma_wait3A_328 : memref<1x128x64xbf16, #tpu.memory_space<vmem>> -> memref<128x64xbf16, #tpu.memory_space<vmem>>
      %dma_wait3A_330 = tpu.memref_slice %arg12[%mul3A_213] : memref<14464xi32, #tpu.memory_space<vmem>> -> memref<128xi32, #tpu.memory_space<vmem>>
      %dma_wait3A_331 = arith.constant 0 : i32
      %dma_wait3A_332 = arith.constant 0 : i32
      %dma_wait3A_333 = tpu.memref_slice %arg2[%dma_wait3A_331, %dma_wait3A_332] : memref<200000x64xbf16, #tpu.memory_space<hbm>> -> memref<200000x64xbf16, #tpu.memory_space<hbm>>
      tpu.wait_indirect_dma semaphore(%arg16 : memref<!tpu.dma_semaphore, #tpu.memory_space<semaphore_mem>>) src(%dma_wait3A_333 : memref<200000x64xbf16, #tpu.memory_space<hbm>>) dst(%dma_wait3A_329 : memref<128x64xbf16, #tpu.memory_space<vmem>>)
      %dma_wait3A_334 = arith.constant 5 : i32
      %dma_wait3A_335 = arith.constant 0 : i32
      %dma_wait3A_336 = arith.constant 0 : i32
      %dma_wait3A_337 = tpu.memref_slice %arg13[%dma_wait3A_334, %dma_wait3A_335, %dma_wait3A_336] : memref<7x128x64xbf16, #tpu.memory_space<vmem>> -> memref<1x128x64xbf16, #tpu.memory_space<vmem>>
      %dma_wait3A_338 = tpu.memref_squeeze %dma_wait3A_337 : memref<1x128x64xbf16, #tpu.memory_space<vmem>> -> memref<128x64xbf16, #tpu.memory_space<vmem>>
      %dma_wait3A_339 = tpu.memref_slice %arg12[%mul3A_219] : memref<14464xi32, #tpu.memory_space<vmem>> -> memref<128xi32, #tpu.memory_space<vmem>>
      %dma_wait3A_340 = arith.constant 0 : i32
      %dma_wait3A_341 = arith.constant 0 : i32
      %dma_wait3A_342 = tpu.memref_slice %arg2[%dma_wait3A_340, %dma_wait3A_341] : memref<200000x64xbf16, #tpu.memory_space<hbm>> -> memref<200000x64xbf16, #tpu.memory_space<hbm>>
      tpu.wait_indirect_dma semaphore(%arg16 : memref<!tpu.dma_semaphore, #tpu.memory_space<semaphore_mem>>) src(%dma_wait3A_342 : memref<200000x64xbf16, #tpu.memory_space<hbm>>) dst(%dma_wait3A_338 : memref<128x64xbf16, #tpu.memory_space<vmem>>)
      %dma_wait3A_343 = arith.constant 6 : i32
      %dma_wait3A_344 = arith.constant 0 : i32
      %dma_wait3A_345 = arith.constant 0 : i32
      %dma_wait3A_346 = tpu.memref_slice %arg13[%dma_wait3A_343, %dma_wait3A_344, %dma_wait3A_345] : memref<7x128x64xbf16, #tpu.memory_space<vmem>> -> memref<1x128x64xbf16, #tpu.memory_space<vmem>>
      %dma_wait3A_347 = tpu.memref_squeeze %dma_wait3A_346 : memref<1x128x64xbf16, #tpu.memory_space<vmem>> -> memref<128x64xbf16, #tpu.memory_space<vmem>>
      %dma_wait3A_348 = tpu.memref_slice %arg12[%mul3A_225] : memref<14464xi32, #tpu.memory_space<vmem>> -> memref<128xi32, #tpu.memory_space<vmem>>
      %dma_wait3A_349 = arith.constant 0 : i32
      %dma_wait3A_350 = arith.constant 0 : i32
      %dma_wait3A_351 = tpu.memref_slice %arg2[%dma_wait3A_349, %dma_wait3A_350] : memref<200000x64xbf16, #tpu.memory_space<hbm>> -> memref<200000x64xbf16, #tpu.memory_space<hbm>>
      tpu.wait_indirect_dma semaphore(%arg16 : memref<!tpu.dma_semaphore, #tpu.memory_space<semaphore_mem>>) src(%dma_wait3A_351 : memref<200000x64xbf16, #tpu.memory_space<hbm>>) dst(%dma_wait3A_347 : memref<128x64xbf16, #tpu.memory_space<vmem>>)
      %mul3A_352 = arith.constant 7 : i32
      %mul3A_353 = arith.muli %scan3A_183, %mul3A_352 : i32
      %add3A_354 = arith.addi %mul3A_31, %mul3A_353 : i32
      "tpu.region"() ({
        %run_scoped3A = tpu.sem_alloc : memref<!tpu.dma_semaphore, #tpu.memory_space<semaphore_mem>>
        %dma_start3A_355 = arith.constant 0 : i32
        %dma_start3A_356 = arith.constant 0 : i32
        %dma_start3A_357 = arith.constant 0 : i32
        %dma_start3A_358 = tpu.memref_slice %arg13[%dma_start3A_355, %dma_start3A_356, %dma_start3A_357] : memref<7x128x64xbf16, #tpu.memory_space<vmem>> -> memref<7x128x64xbf16, #tpu.memory_space<vmem>>
        %dma_start3A_359 = arith.constant 0 : i32
        %dma_start3A_360 = arith.constant 0 : i32
        %dma_start3A_361 = tpu.memref_slice %arg9[%add3A_354, %dma_start3A_359, %dma_start3A_360] : memref<3616x128x64xbf16, #tpu.memory_space<hbm>> -> memref<7x128x64xbf16, #tpu.memory_space<hbm>>
        %dma_start3A_362 = arith.constant 0 : i32
        %dma_start3A_363 = arith.constant 0 : i32
        %dma_start3A_364 = tpu.memref_slice %arg9[%add3A_354, %dma_start3A_362, %dma_start3A_363] : memref<3616x128x64xbf16, #tpu.memory_space<hbm>> -> memref<7x128x64xbf16, #tpu.memory_space<hbm>>
        %dma_start3A_365 = arith.constant 0 : i32
        %dma_start3A_366 = arith.constant 0 : i32
        %dma_start3A_367 = arith.constant 0 : i32
        %dma_start3A_368 = tpu.memref_slice %arg13[%dma_start3A_365, %dma_start3A_366, %dma_start3A_367] : memref<7x128x64xbf16, #tpu.memory_space<vmem>> -> memref<7x128x64xbf16, #tpu.memory_space<vmem>>
        tpu.enqueue_dma source(%dma_start3A_368 : memref<7x128x64xbf16, #tpu.memory_space<vmem>>) target(%dma_start3A_364 : memref<7x128x64xbf16, #tpu.memory_space<hbm>>) target_semaphore(%run_scoped3A : memref<!tpu.dma_semaphore, #tpu.memory_space<semaphore_mem>>)
        %dma_wait3A_369 = arith.constant 0 : i32
        %dma_wait3A_370 = arith.constant 0 : i32
        %dma_wait3A_371 = arith.constant 0 : i32
        %dma_wait3A_372 = tpu.memref_slice %arg13[%dma_wait3A_369, %dma_wait3A_370, %dma_wait3A_371] : memref<7x128x64xbf16, #tpu.memory_space<vmem>> -> memref<7x128x64xbf16, #tpu.memory_space<vmem>>
        %dma_wait3A_373 = arith.constant 0 : i32
        %dma_wait3A_374 = arith.constant 0 : i32
        %dma_wait3A_375 = tpu.memref_slice %arg9[%add3A_354, %dma_wait3A_373, %dma_wait3A_374] : memref<3616x128x64xbf16, #tpu.memory_space<hbm>> -> memref<7x128x64xbf16, #tpu.memory_space<hbm>>
        %dma_wait3A_376 = arith.constant 0 : i32
        %dma_wait3A_377 = arith.constant 0 : i32
        %dma_wait3A_378 = tpu.memref_slice %arg9[%add3A_354, %dma_wait3A_376, %dma_wait3A_377] : memref<3616x128x64xbf16, #tpu.memory_space<hbm>> -> memref<7x128x64xbf16, #tpu.memory_space<hbm>>
        %dma_wait3A_379 = arith.constant 0 : i32
        %dma_wait3A_380 = arith.constant 0 : i32
        %dma_wait3A_381 = arith.constant 0 : i32
        %dma_wait3A_382 = tpu.memref_slice %arg13[%dma_wait3A_379, %dma_wait3A_380, %dma_wait3A_381] : memref<7x128x64xbf16, #tpu.memory_space<vmem>> -> memref<7x128x64xbf16, #tpu.memory_space<vmem>>
        tpu.wait_dma2 semaphore(%run_scoped3A : memref<!tpu.dma_semaphore, #tpu.memory_space<semaphore_mem>>) src(%dma_wait3A_382 : memref<7x128x64xbf16, #tpu.memory_space<vmem>>) dst(%dma_wait3A_378 : memref<7x128x64xbf16, #tpu.memory_space<hbm>>)
        tpu.yield
      }) : () -> ()
    }
    %scan3A_39 = arith.constant 16 : i32
    %dma_start3A_40 = arith.constant 0 : i32
    %dma_start3A_41 = arith.constant 0 : i32
    %dma_start3A_42 = arith.constant 0 : i32
    %dma_start3A_43 = tpu.memref_slice %arg13[%dma_start3A_40, %dma_start3A_41, %dma_start3A_42] : memref<7x128x64xbf16, #tpu.memory_space<vmem>> -> memref<1x128x64xbf16, #tpu.memory_space<vmem>>
    %dma_start3A_44 = tpu.memref_squeeze %dma_start3A_43 : memref<1x128x64xbf16, #tpu.memory_space<vmem>> -> memref<128x64xbf16, #tpu.memory_space<vmem>>
    %dma_start3A_45 = arith.constant 14336 : i32
    %dma_start3A_46 = tpu.memref_slice %arg12[%dma_start3A_45] : memref<14464xi32, #tpu.memory_space<vmem>> -> memref<128xi32, #tpu.memory_space<vmem>>
    %dma_start3A_47 = arith.constant 0 : i32
    %dma_start3A_48 = arith.constant 0 : i32
    %dma_start3A_49 = tpu.memref_slice %arg2[%dma_start3A_47, %dma_start3A_48] : memref<200000x64xbf16, #tpu.memory_space<hbm>> -> memref<200000x64xbf16, #tpu.memory_space<hbm>>
    tpu.enqueue_indirect_dma source(%dma_start3A_49 : memref<200000x64xbf16, #tpu.memory_space<hbm>>) target(%dma_start3A_44 : memref<128x64xbf16, #tpu.memory_space<vmem>>) offsets(%dma_start3A_46 : memref<128xi32, #tpu.memory_space<vmem>>) semaphore(%arg16 : memref<!tpu.dma_semaphore, #tpu.memory_space<semaphore_mem>>)
    %dma_wait3A_50 = arith.constant 0 : i32
    %dma_wait3A_51 = arith.constant 0 : i32
    %dma_wait3A_52 = arith.constant 0 : i32
    %dma_wait3A_53 = tpu.memref_slice %arg13[%dma_wait3A_50, %dma_wait3A_51, %dma_wait3A_52] : memref<7x128x64xbf16, #tpu.memory_space<vmem>> -> memref<1x128x64xbf16, #tpu.memory_space<vmem>>
    %dma_wait3A_54 = tpu.memref_squeeze %dma_wait3A_53 : memref<1x128x64xbf16, #tpu.memory_space<vmem>> -> memref<128x64xbf16, #tpu.memory_space<vmem>>
    %dma_wait3A_55 = arith.constant 14336 : i32
    %dma_wait3A_56 = tpu.memref_slice %arg12[%dma_wait3A_55] : memref<14464xi32, #tpu.memory_space<vmem>> -> memref<128xi32, #tpu.memory_space<vmem>>
    %dma_wait3A_57 = arith.constant 0 : i32
    %dma_wait3A_58 = arith.constant 0 : i32
    %dma_wait3A_59 = tpu.memref_slice %arg2[%dma_wait3A_57, %dma_wait3A_58] : memref<200000x64xbf16, #tpu.memory_space<hbm>> -> memref<200000x64xbf16, #tpu.memory_space<hbm>>
    tpu.wait_indirect_dma semaphore(%arg16 : memref<!tpu.dma_semaphore, #tpu.memory_space<semaphore_mem>>) src(%dma_wait3A_59 : memref<200000x64xbf16, #tpu.memory_space<hbm>>) dst(%dma_wait3A_54 : memref<128x64xbf16, #tpu.memory_space<vmem>>)
    %add3A_60 = arith.constant 112 : i32
    %add3A_61 = arith.addi %mul3A_31, %add3A_60 : i32
    "tpu.region"() ({
      %run_scoped3A = tpu.sem_alloc : memref<!tpu.dma_semaphore, #tpu.memory_space<semaphore_mem>>
      %dma_start3A_183 = arith.constant 0 : i32
      %dma_start3A_184 = arith.constant 0 : i32
      %dma_start3A_185 = arith.constant 0 : i32
      %dma_start3A_186 = tpu.memref_slice %arg13[%dma_start3A_183, %dma_start3A_184, %dma_start3A_185] : memref<7x128x64xbf16, #tpu.memory_space<vmem>> -> memref<1x128x64xbf16, #tpu.memory_space<vmem>>
      %dma_start3A_187 = arith.constant 0 : i32
      %dma_start3A_188 = arith.constant 0 : i32
      %dma_start3A_189 = tpu.memref_slice %arg9[%add3A_61, %dma_start3A_187, %dma_start3A_188] : memref<3616x128x64xbf16, #tpu.memory_space<hbm>> -> memref<1x128x64xbf16, #tpu.memory_space<hbm>>
      %dma_start3A_190 = arith.constant 0 : i32
      %dma_start3A_191 = arith.constant 0 : i32
      %dma_start3A_192 = tpu.memref_slice %arg9[%add3A_61, %dma_start3A_190, %dma_start3A_191] : memref<3616x128x64xbf16, #tpu.memory_space<hbm>> -> memref<1x128x64xbf16, #tpu.memory_space<hbm>>
      %dma_start3A_193 = arith.constant 0 : i32
      %dma_start3A_194 = arith.constant 0 : i32
      %dma_start3A_195 = arith.constant 0 : i32
      %dma_start3A_196 = tpu.memref_slice %arg13[%dma_start3A_193, %dma_start3A_194, %dma_start3A_195] : memref<7x128x64xbf16, #tpu.memory_space<vmem>> -> memref<1x128x64xbf16, #tpu.memory_space<vmem>>
      tpu.enqueue_dma source(%dma_start3A_196 : memref<1x128x64xbf16, #tpu.memory_space<vmem>>) target(%dma_start3A_192 : memref<1x128x64xbf16, #tpu.memory_space<hbm>>) target_semaphore(%run_scoped3A : memref<!tpu.dma_semaphore, #tpu.memory_space<semaphore_mem>>)
      %dma_wait3A_197 = arith.constant 0 : i32
      %dma_wait3A_198 = arith.constant 0 : i32
      %dma_wait3A_199 = arith.constant 0 : i32
      %dma_wait3A_200 = tpu.memref_slice %arg13[%dma_wait3A_197, %dma_wait3A_198, %dma_wait3A_199] : memref<7x128x64xbf16, #tpu.memory_space<vmem>> -> memref<1x128x64xbf16, #tpu.memory_space<vmem>>
      %dma_wait3A_201 = arith.constant 0 : i32
      %dma_wait3A_202 = arith.constant 0 : i32
      %dma_wait3A_203 = tpu.memref_slice %arg9[%add3A_61, %dma_wait3A_201, %dma_wait3A_202] : memref<3616x128x64xbf16, #tpu.memory_space<hbm>> -> memref<1x128x64xbf16, #tpu.memory_space<hbm>>
      %dma_wait3A_204 = arith.constant 0 : i32
      %dma_wait3A_205 = arith.constant 0 : i32
      %dma_wait3A_206 = tpu.memref_slice %arg9[%add3A_61, %dma_wait3A_204, %dma_wait3A_205] : memref<3616x128x64xbf16, #tpu.memory_space<hbm>> -> memref<1x128x64xbf16, #tpu.memory_space<hbm>>
      %dma_wait3A_207 = arith.constant 0 : i32
      %dma_wait3A_208 = arith.constant 0 : i32
      %dma_wait3A_209 = arith.constant 0 : i32
      %dma_wait3A_210 = tpu.memref_slice %arg13[%dma_wait3A_207, %dma_wait3A_208, %dma_wait3A_209] : memref<7x128x64xbf16, #tpu.memory_space<vmem>> -> memref<1x128x64xbf16, #tpu.memory_space<vmem>>
      tpu.wait_dma2 semaphore(%run_scoped3A : memref<!tpu.dma_semaphore, #tpu.memory_space<semaphore_mem>>) src(%dma_wait3A_210 : memref<1x128x64xbf16, #tpu.memory_space<vmem>>) dst(%dma_wait3A_206 : memref<1x128x64xbf16, #tpu.memory_space<hbm>>)
      tpu.yield
    }) : () -> ()
    %mul3A_62 = arith.constant 5 : i32
    %mul3A_63 = arith.muli %add3A, %mul3A_62 : i32
    %mul3A_64 = arith.constant 640 : i32
    %mul3A_65 = arith.muli %add3A, %mul3A_64 : i32
    "tpu.region"() ({
      %run_scoped3A = tpu.sem_alloc : memref<!tpu.dma_semaphore, #tpu.memory_space<semaphore_mem>>
      %dma_start3A_183 = arith.constant 0 : i32
      %dma_start3A_184 = tpu.memref_slice %arg12[%dma_start3A_183] : memref<14464xi32, #tpu.memory_space<vmem>> -> memref<640xi32, #tpu.memory_space<vmem>>
      %dma_start3A_185 = tpu.memref_slice %arg7[%mul3A_65] : memref<20480xi32, #tpu.memory_space<hbm>> -> memref<640xi32, #tpu.memory_space<hbm>>
      %dma_start3A_186 = arith.constant 0 : i32
      %dma_start3A_187 = tpu.memref_slice %arg12[%dma_start3A_186] : memref<14464xi32, #tpu.memory_space<vmem>> -> memref<640xi32, #tpu.memory_space<vmem>>
      %dma_start3A_188 = tpu.memref_slice %arg7[%mul3A_65] : memref<20480xi32, #tpu.memory_space<hbm>> -> memref<640xi32, #tpu.memory_space<hbm>>
      tpu.enqueue_dma source(%dma_start3A_188 : memref<640xi32, #tpu.memory_space<hbm>>) target(%dma_start3A_187 : memref<640xi32, #tpu.memory_space<vmem>>) target_semaphore(%run_scoped3A : memref<!tpu.dma_semaphore, #tpu.memory_space<semaphore_mem>>)
      %dma_wait3A_189 = arith.constant 0 : i32
      %dma_wait3A_190 = tpu.memref_slice %arg12[%dma_wait3A_189] : memref<14464xi32, #tpu.memory_space<vmem>> -> memref<640xi32, #tpu.memory_space<vmem>>
      %dma_wait3A_191 = tpu.memref_slice %arg7[%mul3A_65] : memref<20480xi32, #tpu.memory_space<hbm>> -> memref<640xi32, #tpu.memory_space<hbm>>
      %dma_wait3A_192 = arith.constant 0 : i32
      %dma_wait3A_193 = tpu.memref_slice %arg12[%dma_wait3A_192] : memref<14464xi32, #tpu.memory_space<vmem>> -> memref<640xi32, #tpu.memory_space<vmem>>
      %dma_wait3A_194 = tpu.memref_slice %arg7[%mul3A_65] : memref<20480xi32, #tpu.memory_space<hbm>> -> memref<640xi32, #tpu.memory_space<hbm>>
      tpu.wait_dma2 semaphore(%run_scoped3A : memref<!tpu.dma_semaphore, #tpu.memory_space<semaphore_mem>>) src(%dma_wait3A_194 : memref<640xi32, #tpu.memory_space<hbm>>) dst(%dma_wait3A_193 : memref<640xi32, #tpu.memory_space<vmem>>)
      tpu.yield
    }) : () -> ()
    %scan3A_66 = arith.constant 0 : i32
    %scan3A_67 = arith.constant 0 : i32
    %scan3A_68 = arith.constant 0 : i32
    %scan3A_69 = arith.addi %scan3A_67, %scan3A_68 : i32
    %scan3A_70 = arith.constant 0 : i32
    %dma_start3A_71 = arith.constant 0 : i32
    %dma_start3A_72 = arith.constant 0 : i32
    %dma_start3A_73 = arith.constant 0 : i32
    %dma_start3A_74 = tpu.memref_slice %arg13[%dma_start3A_71, %dma_start3A_72, %dma_start3A_73] : memref<7x128x64xbf16, #tpu.memory_space<vmem>> -> memref<1x128x64xbf16, #tpu.memory_space<vmem>>
    %dma_start3A_75 = tpu.memref_squeeze %dma_start3A_74 : memref<1x128x64xbf16, #tpu.memory_space<vmem>> -> memref<128x64xbf16, #tpu.memory_space<vmem>>
    %dma_start3A_76 = arith.constant 0 : i32
    %dma_start3A_77 = tpu.memref_slice %arg12[%dma_start3A_76] : memref<14464xi32, #tpu.memory_space<vmem>> -> memref<128xi32, #tpu.memory_space<vmem>>
    %dma_start3A_78 = arith.constant 0 : i32
    %dma_start3A_79 = arith.constant 0 : i32
    %dma_start3A_80 = tpu.memref_slice %arg3[%dma_start3A_78, %dma_start3A_79] : memref<100000x64xbf16, #tpu.memory_space<hbm>> -> memref<100000x64xbf16, #tpu.memory_space<hbm>>
    tpu.enqueue_indirect_dma source(%dma_start3A_80 : memref<100000x64xbf16, #tpu.memory_space<hbm>>) target(%dma_start3A_75 : memref<128x64xbf16, #tpu.memory_space<vmem>>) offsets(%dma_start3A_77 : memref<128xi32, #tpu.memory_space<vmem>>) semaphore(%arg16 : memref<!tpu.dma_semaphore, #tpu.memory_space<semaphore_mem>>)
    %dma_start3A_81 = arith.constant 1 : i32
    %dma_start3A_82 = arith.constant 0 : i32
    %dma_start3A_83 = arith.constant 0 : i32
    %dma_start3A_84 = tpu.memref_slice %arg13[%dma_start3A_81, %dma_start3A_82, %dma_start3A_83] : memref<7x128x64xbf16, #tpu.memory_space<vmem>> -> memref<1x128x64xbf16, #tpu.memory_space<vmem>>
    %dma_start3A_85 = tpu.memref_squeeze %dma_start3A_84 : memref<1x128x64xbf16, #tpu.memory_space<vmem>> -> memref<128x64xbf16, #tpu.memory_space<vmem>>
    %dma_start3A_86 = arith.constant 128 : i32
    %dma_start3A_87 = tpu.memref_slice %arg12[%dma_start3A_86] : memref<14464xi32, #tpu.memory_space<vmem>> -> memref<128xi32, #tpu.memory_space<vmem>>
    %dma_start3A_88 = arith.constant 0 : i32
    %dma_start3A_89 = arith.constant 0 : i32
    %dma_start3A_90 = tpu.memref_slice %arg3[%dma_start3A_88, %dma_start3A_89] : memref<100000x64xbf16, #tpu.memory_space<hbm>> -> memref<100000x64xbf16, #tpu.memory_space<hbm>>
    tpu.enqueue_indirect_dma source(%dma_start3A_90 : memref<100000x64xbf16, #tpu.memory_space<hbm>>) target(%dma_start3A_85 : memref<128x64xbf16, #tpu.memory_space<vmem>>) offsets(%dma_start3A_87 : memref<128xi32, #tpu.memory_space<vmem>>) semaphore(%arg16 : memref<!tpu.dma_semaphore, #tpu.memory_space<semaphore_mem>>)
    %dma_start3A_91 = arith.constant 2 : i32
    %dma_start3A_92 = arith.constant 0 : i32
    %dma_start3A_93 = arith.constant 0 : i32
    %dma_start3A_94 = tpu.memref_slice %arg13[%dma_start3A_91, %dma_start3A_92, %dma_start3A_93] : memref<7x128x64xbf16, #tpu.memory_space<vmem>> -> memref<1x128x64xbf16, #tpu.memory_space<vmem>>
    %dma_start3A_95 = tpu.memref_squeeze %dma_start3A_94 : memref<1x128x64xbf16, #tpu.memory_space<vmem>> -> memref<128x64xbf16, #tpu.memory_space<vmem>>
    %dma_start3A_96 = arith.constant 256 : i32
    %dma_start3A_97 = tpu.memref_slice %arg12[%dma_start3A_96] : memref<14464xi32, #tpu.memory_space<vmem>> -> memref<128xi32, #tpu.memory_space<vmem>>
    %dma_start3A_98 = arith.constant 0 : i32
    %dma_start3A_99 = arith.constant 0 : i32
    %dma_start3A_100 = tpu.memref_slice %arg3[%dma_start3A_98, %dma_start3A_99] : memref<100000x64xbf16, #tpu.memory_space<hbm>> -> memref<100000x64xbf16, #tpu.memory_space<hbm>>
    tpu.enqueue_indirect_dma source(%dma_start3A_100 : memref<100000x64xbf16, #tpu.memory_space<hbm>>) target(%dma_start3A_95 : memref<128x64xbf16, #tpu.memory_space<vmem>>) offsets(%dma_start3A_97 : memref<128xi32, #tpu.memory_space<vmem>>) semaphore(%arg16 : memref<!tpu.dma_semaphore, #tpu.memory_space<semaphore_mem>>)
    %dma_start3A_101 = arith.constant 3 : i32
    %dma_start3A_102 = arith.constant 0 : i32
    %dma_start3A_103 = arith.constant 0 : i32
    %dma_start3A_104 = tpu.memref_slice %arg13[%dma_start3A_101, %dma_start3A_102, %dma_start3A_103] : memref<7x128x64xbf16, #tpu.memory_space<vmem>> -> memref<1x128x64xbf16, #tpu.memory_space<vmem>>
    %dma_start3A_105 = tpu.memref_squeeze %dma_start3A_104 : memref<1x128x64xbf16, #tpu.memory_space<vmem>> -> memref<128x64xbf16, #tpu.memory_space<vmem>>
    %dma_start3A_106 = arith.constant 384 : i32
    %dma_start3A_107 = tpu.memref_slice %arg12[%dma_start3A_106] : memref<14464xi32, #tpu.memory_space<vmem>> -> memref<128xi32, #tpu.memory_space<vmem>>
    %dma_start3A_108 = arith.constant 0 : i32
    %dma_start3A_109 = arith.constant 0 : i32
    %dma_start3A_110 = tpu.memref_slice %arg3[%dma_start3A_108, %dma_start3A_109] : memref<100000x64xbf16, #tpu.memory_space<hbm>> -> memref<100000x64xbf16, #tpu.memory_space<hbm>>
    tpu.enqueue_indirect_dma source(%dma_start3A_110 : memref<100000x64xbf16, #tpu.memory_space<hbm>>) target(%dma_start3A_105 : memref<128x64xbf16, #tpu.memory_space<vmem>>) offsets(%dma_start3A_107 : memref<128xi32, #tpu.memory_space<vmem>>) semaphore(%arg16 : memref<!tpu.dma_semaphore, #tpu.memory_space<semaphore_mem>>)
    %dma_start3A_111 = arith.constant 4 : i32
    %dma_start3A_112 = arith.constant 0 : i32
    %dma_start3A_113 = arith.constant 0 : i32
    %dma_start3A_114 = tpu.memref_slice %arg13[%dma_start3A_111, %dma_start3A_112, %dma_start3A_113] : memref<7x128x64xbf16, #tpu.memory_space<vmem>> -> memref<1x128x64xbf16, #tpu.memory_space<vmem>>
    %dma_start3A_115 = tpu.memref_squeeze %dma_start3A_114 : memref<1x128x64xbf16, #tpu.memory_space<vmem>> -> memref<128x64xbf16, #tpu.memory_space<vmem>>
    %dma_start3A_116 = arith.constant 512 : i32
    %dma_start3A_117 = tpu.memref_slice %arg12[%dma_start3A_116] : memref<14464xi32, #tpu.memory_space<vmem>> -> memref<128xi32, #tpu.memory_space<vmem>>
    %dma_start3A_118 = arith.constant 0 : i32
    %dma_start3A_119 = arith.constant 0 : i32
    %dma_start3A_120 = tpu.memref_slice %arg3[%dma_start3A_118, %dma_start3A_119] : memref<100000x64xbf16, #tpu.memory_space<hbm>> -> memref<100000x64xbf16, #tpu.memory_space<hbm>>
    tpu.enqueue_indirect_dma source(%dma_start3A_120 : memref<100000x64xbf16, #tpu.memory_space<hbm>>) target(%dma_start3A_115 : memref<128x64xbf16, #tpu.memory_space<vmem>>) offsets(%dma_start3A_117 : memref<128xi32, #tpu.memory_space<vmem>>) semaphore(%arg16 : memref<!tpu.dma_semaphore, #tpu.memory_space<semaphore_mem>>)
    %dma_wait3A_121 = arith.constant 0 : i32
    %dma_wait3A_122 = arith.constant 0 : i32
    %dma_wait3A_123 = arith.constant 0 : i32
    %dma_wait3A_124 = tpu.memref_slice %arg13[%dma_wait3A_121, %dma_wait3A_122, %dma_wait3A_123] : memref<7x128x64xbf16, #tpu.memory_space<vmem>> -> memref<1x128x64xbf16, #tpu.memory_space<vmem>>
    %dma_wait3A_125 = tpu.memref_squeeze %dma_wait3A_124 : memref<1x128x64xbf16, #tpu.memory_space<vmem>> -> memref<128x64xbf16, #tpu.memory_space<vmem>>
    %dma_wait3A_126 = arith.constant 0 : i32
    %dma_wait3A_127 = tpu.memref_slice %arg12[%dma_wait3A_126] : memref<14464xi32, #tpu.memory_space<vmem>> -> memref<128xi32, #tpu.memory_space<vmem>>
    %dma_wait3A_128 = arith.constant 0 : i32
    %dma_wait3A_129 = arith.constant 0 : i32
    %dma_wait3A_130 = tpu.memref_slice %arg3[%dma_wait3A_128, %dma_wait3A_129] : memref<100000x64xbf16, #tpu.memory_space<hbm>> -> memref<100000x64xbf16, #tpu.memory_space<hbm>>
    tpu.wait_indirect_dma semaphore(%arg16 : memref<!tpu.dma_semaphore, #tpu.memory_space<semaphore_mem>>) src(%dma_wait3A_130 : memref<100000x64xbf16, #tpu.memory_space<hbm>>) dst(%dma_wait3A_125 : memref<128x64xbf16, #tpu.memory_space<vmem>>)
    %dma_wait3A_131 = arith.constant 1 : i32
    %dma_wait3A_132 = arith.constant 0 : i32
    %dma_wait3A_133 = arith.constant 0 : i32
    %dma_wait3A_134 = tpu.memref_slice %arg13[%dma_wait3A_131, %dma_wait3A_132, %dma_wait3A_133] : memref<7x128x64xbf16, #tpu.memory_space<vmem>> -> memref<1x128x64xbf16, #tpu.memory_space<vmem>>
    %dma_wait3A_135 = tpu.memref_squeeze %dma_wait3A_134 : memref<1x128x64xbf16, #tpu.memory_space<vmem>> -> memref<128x64xbf16, #tpu.memory_space<vmem>>
    %dma_wait3A_136 = arith.constant 128 : i32
    %dma_wait3A_137 = tpu.memref_slice %arg12[%dma_wait3A_136] : memref<14464xi32, #tpu.memory_space<vmem>> -> memref<128xi32, #tpu.memory_space<vmem>>
    %dma_wait3A_138 = arith.constant 0 : i32
    %dma_wait3A_139 = arith.constant 0 : i32
    %dma_wait3A_140 = tpu.memref_slice %arg3[%dma_wait3A_138, %dma_wait3A_139] : memref<100000x64xbf16, #tpu.memory_space<hbm>> -> memref<100000x64xbf16, #tpu.memory_space<hbm>>
    tpu.wait_indirect_dma semaphore(%arg16 : memref<!tpu.dma_semaphore, #tpu.memory_space<semaphore_mem>>) src(%dma_wait3A_140 : memref<100000x64xbf16, #tpu.memory_space<hbm>>) dst(%dma_wait3A_135 : memref<128x64xbf16, #tpu.memory_space<vmem>>)
    %dma_wait3A_141 = arith.constant 2 : i32
    %dma_wait3A_142 = arith.constant 0 : i32
    %dma_wait3A_143 = arith.constant 0 : i32
    %dma_wait3A_144 = tpu.memref_slice %arg13[%dma_wait3A_141, %dma_wait3A_142, %dma_wait3A_143] : memref<7x128x64xbf16, #tpu.memory_space<vmem>> -> memref<1x128x64xbf16, #tpu.memory_space<vmem>>
    %dma_wait3A_145 = tpu.memref_squeeze %dma_wait3A_144 : memref<1x128x64xbf16, #tpu.memory_space<vmem>> -> memref<128x64xbf16, #tpu.memory_space<vmem>>
    %dma_wait3A_146 = arith.constant 256 : i32
    %dma_wait3A_147 = tpu.memref_slice %arg12[%dma_wait3A_146] : memref<14464xi32, #tpu.memory_space<vmem>> -> memref<128xi32, #tpu.memory_space<vmem>>
    %dma_wait3A_148 = arith.constant 0 : i32
    %dma_wait3A_149 = arith.constant 0 : i32
    %dma_wait3A_150 = tpu.memref_slice %arg3[%dma_wait3A_148, %dma_wait3A_149] : memref<100000x64xbf16, #tpu.memory_space<hbm>> -> memref<100000x64xbf16, #tpu.memory_space<hbm>>
    tpu.wait_indirect_dma semaphore(%arg16 : memref<!tpu.dma_semaphore, #tpu.memory_space<semaphore_mem>>) src(%dma_wait3A_150 : memref<100000x64xbf16, #tpu.memory_space<hbm>>) dst(%dma_wait3A_145 : memref<128x64xbf16, #tpu.memory_space<vmem>>)
    %dma_wait3A_151 = arith.constant 3 : i32
    %dma_wait3A_152 = arith.constant 0 : i32
    %dma_wait3A_153 = arith.constant 0 : i32
    %dma_wait3A_154 = tpu.memref_slice %arg13[%dma_wait3A_151, %dma_wait3A_152, %dma_wait3A_153] : memref<7x128x64xbf16, #tpu.memory_space<vmem>> -> memref<1x128x64xbf16, #tpu.memory_space<vmem>>
    %dma_wait3A_155 = tpu.memref_squeeze %dma_wait3A_154 : memref<1x128x64xbf16, #tpu.memory_space<vmem>> -> memref<128x64xbf16, #tpu.memory_space<vmem>>
    %dma_wait3A_156 = arith.constant 384 : i32
    %dma_wait3A_157 = tpu.memref_slice %arg12[%dma_wait3A_156] : memref<14464xi32, #tpu.memory_space<vmem>> -> memref<128xi32, #tpu.memory_space<vmem>>
    %dma_wait3A_158 = arith.constant 0 : i32
    %dma_wait3A_159 = arith.constant 0 : i32
    %dma_wait3A_160 = tpu.memref_slice %arg3[%dma_wait3A_158, %dma_wait3A_159] : memref<100000x64xbf16, #tpu.memory_space<hbm>> -> memref<100000x64xbf16, #tpu.memory_space<hbm>>
    tpu.wait_indirect_dma semaphore(%arg16 : memref<!tpu.dma_semaphore, #tpu.memory_space<semaphore_mem>>) src(%dma_wait3A_160 : memref<100000x64xbf16, #tpu.memory_space<hbm>>) dst(%dma_wait3A_155 : memref<128x64xbf16, #tpu.memory_space<vmem>>)
    %dma_wait3A_161 = arith.constant 4 : i32
    %dma_wait3A_162 = arith.constant 0 : i32
    %dma_wait3A_163 = arith.constant 0 : i32
    %dma_wait3A_164 = tpu.memref_slice %arg13[%dma_wait3A_161, %dma_wait3A_162, %dma_wait3A_163] : memref<7x128x64xbf16, #tpu.memory_space<vmem>> -> memref<1x128x64xbf16, #tpu.memory_space<vmem>>
    %dma_wait3A_165 = tpu.memref_squeeze %dma_wait3A_164 : memref<1x128x64xbf16, #tpu.memory_space<vmem>> -> memref<128x64xbf16, #tpu.memory_space<vmem>>
    %dma_wait3A_166 = arith.constant 512 : i32
    %dma_wait3A_167 = tpu.memref_slice %arg12[%dma_wait3A_166] : memref<14464xi32, #tpu.memory_space<vmem>> -> memref<128xi32, #tpu.memory_space<vmem>>
    %dma_wait3A_168 = arith.constant 0 : i32
    %dma_wait3A_169 = arith.constant 0 : i32
    %dma_wait3A_170 = tpu.memref_slice %arg3[%dma_wait3A_168, %dma_wait3A_169] : memref<100000x64xbf16, #tpu.memory_space<hbm>> -> memref<100000x64xbf16, #tpu.memory_space<hbm>>
    tpu.wait_indirect_dma semaphore(%arg16 : memref<!tpu.dma_semaphore, #tpu.memory_space<semaphore_mem>>) src(%dma_wait3A_170 : memref<100000x64xbf16, #tpu.memory_space<hbm>>) dst(%dma_wait3A_165 : memref<128x64xbf16, #tpu.memory_space<vmem>>)
    %add3A_171 = arith.constant 0 : i32
    %add3A_172 = arith.addi %mul3A_63, %add3A_171 : i32
    "tpu.region"() ({
      %run_scoped3A = tpu.sem_alloc : memref<!tpu.dma_semaphore, #tpu.memory_space<semaphore_mem>>
      %dma_start3A_183 = arith.constant 0 : i32
      %dma_start3A_184 = arith.constant 0 : i32
      %dma_start3A_185 = arith.constant 0 : i32
      %dma_start3A_186 = tpu.memref_slice %arg13[%dma_start3A_183, %dma_start3A_184, %dma_start3A_185] : memref<7x128x64xbf16, #tpu.memory_space<vmem>> -> memref<5x128x64xbf16, #tpu.memory_space<vmem>>
      %dma_start3A_187 = arith.constant 0 : i32
      %dma_start3A_188 = arith.constant 0 : i32
      %dma_start3A_189 = tpu.memref_slice %arg11[%add3A_172, %dma_start3A_187, %dma_start3A_188] : memref<160x128x64xbf16, #tpu.memory_space<hbm>> -> memref<5x128x64xbf16, #tpu.memory_space<hbm>>
      %dma_start3A_190 = arith.constant 0 : i32
      %dma_start3A_191 = arith.constant 0 : i32
      %dma_start3A_192 = tpu.memref_slice %arg11[%add3A_172, %dma_start3A_190, %dma_start3A_191] : memref<160x128x64xbf16, #tpu.memory_space<hbm>> -> memref<5x128x64xbf16, #tpu.memory_space<hbm>>
      %dma_start3A_193 = arith.constant 0 : i32
      %dma_start3A_194 = arith.constant 0 : i32
      %dma_start3A_195 = arith.constant 0 : i32
      %dma_start3A_196 = tpu.memref_slice %arg13[%dma_start3A_193, %dma_start3A_194, %dma_start3A_195] : memref<7x128x64xbf16, #tpu.memory_space<vmem>> -> memref<5x128x64xbf16, #tpu.memory_space<vmem>>
      tpu.enqueue_dma source(%dma_start3A_196 : memref<5x128x64xbf16, #tpu.memory_space<vmem>>) target(%dma_start3A_192 : memref<5x128x64xbf16, #tpu.memory_space<hbm>>) target_semaphore(%run_scoped3A : memref<!tpu.dma_semaphore, #tpu.memory_space<semaphore_mem>>)
      %dma_wait3A_197 = arith.constant 0 : i32
      %dma_wait3A_198 = arith.constant 0 : i32
      %dma_wait3A_199 = arith.constant 0 : i32
      %dma_wait3A_200 = tpu.memref_slice %arg13[%dma_wait3A_197, %dma_wait3A_198, %dma_wait3A_199] : memref<7x128x64xbf16, #tpu.memory_space<vmem>> -> memref<5x128x64xbf16, #tpu.memory_space<vmem>>
      %dma_wait3A_201 = arith.constant 0 : i32
      %dma_wait3A_202 = arith.constant 0 : i32
      %dma_wait3A_203 = tpu.memref_slice %arg11[%add3A_172, %dma_wait3A_201, %dma_wait3A_202] : memref<160x128x64xbf16, #tpu.memory_space<hbm>> -> memref<5x128x64xbf16, #tpu.memory_space<hbm>>
      %dma_wait3A_204 = arith.constant 0 : i32
      %dma_wait3A_205 = arith.constant 0 : i32
      %dma_wait3A_206 = tpu.memref_slice %arg11[%add3A_172, %dma_wait3A_204, %dma_wait3A_205] : memref<160x128x64xbf16, #tpu.memory_space<hbm>> -> memref<5x128x64xbf16, #tpu.memory_space<hbm>>
      %dma_wait3A_207 = arith.constant 0 : i32
      %dma_wait3A_208 = arith.constant 0 : i32
      %dma_wait3A_209 = arith.constant 0 : i32
      %dma_wait3A_210 = tpu.memref_slice %arg13[%dma_wait3A_207, %dma_wait3A_208, %dma_wait3A_209] : memref<7x128x64xbf16, #tpu.memory_space<vmem>> -> memref<5x128x64xbf16, #tpu.memory_space<vmem>>
      tpu.wait_dma2 semaphore(%run_scoped3A : memref<!tpu.dma_semaphore, #tpu.memory_space<semaphore_mem>>) src(%dma_wait3A_210 : memref<5x128x64xbf16, #tpu.memory_space<vmem>>) dst(%dma_wait3A_206 : memref<5x128x64xbf16, #tpu.memory_space<hbm>>)
      tpu.yield
    }) : () -> ()
    %mul3A_173 = arith.constant 32 : i32
    %mul3A_174 = arith.muli %add3A, %mul3A_173 : i32
    "tpu.region"() ({
      %run_scoped3A = tpu.sem_alloc : memref<!tpu.dma_semaphore, #tpu.memory_space<semaphore_mem>>
      %dma_start3A_183 = tpu.memref_slice %arg6[%mul3A_174] : memref<1024xi32, #tpu.memory_space<hbm>> -> memref<32xi32, #tpu.memory_space<hbm>>
      %dma_start3A_184 = tpu.memref_slice %arg6[%mul3A_174] : memref<1024xi32, #tpu.memory_space<hbm>> -> memref<32xi32, #tpu.memory_space<hbm>>
      tpu.enqueue_dma source(%dma_start3A_184 : memref<32xi32, #tpu.memory_space<hbm>>) target(%arg14 : memref<32xi32, #tpu.memory_space<vmem>>) target_semaphore(%run_scoped3A : memref<!tpu.dma_semaphore, #tpu.memory_space<semaphore_mem>>)
      %dma_wait3A_185 = tpu.memref_slice %arg6[%mul3A_174] : memref<1024xi32, #tpu.memory_space<hbm>> -> memref<32xi32, #tpu.memory_space<hbm>>
      %dma_wait3A_186 = tpu.memref_slice %arg6[%mul3A_174] : memref<1024xi32, #tpu.memory_space<hbm>> -> memref<32xi32, #tpu.memory_space<hbm>>
      tpu.wait_dma2 semaphore(%run_scoped3A : memref<!tpu.dma_semaphore, #tpu.memory_space<semaphore_mem>>) src(%dma_wait3A_186 : memref<32xi32, #tpu.memory_space<hbm>>) dst(%arg14 : memref<32xi32, #tpu.memory_space<vmem>>)
      tpu.yield
    }) : () -> ()
    %dma_start3A_175 = arith.constant 0 : i32
    %dma_start3A_176 = arith.constant 0 : i32
    %dma_start3A_177 = tpu.memref_slice %arg3[%dma_start3A_175, %dma_start3A_176] : memref<100000x64xbf16, #tpu.memory_space<hbm>> -> memref<100000x64xbf16, #tpu.memory_space<hbm>>
    tpu.enqueue_indirect_dma source(%dma_start3A_177 : memref<100000x64xbf16, #tpu.memory_space<hbm>>) target(%arg15 : memref<32x64xbf16, #tpu.memory_space<vmem>>) offsets(%arg14 : memref<32xi32, #tpu.memory_space<vmem>>) semaphore(%arg16 : memref<!tpu.dma_semaphore, #tpu.memory_space<semaphore_mem>>)
    %dma_wait3A_178 = arith.constant 0 : i32
    %dma_wait3A_179 = arith.constant 0 : i32
    %dma_wait3A_180 = tpu.memref_slice %arg3[%dma_wait3A_178, %dma_wait3A_179] : memref<100000x64xbf16, #tpu.memory_space<hbm>> -> memref<100000x64xbf16, #tpu.memory_space<hbm>>
    tpu.wait_indirect_dma semaphore(%arg16 : memref<!tpu.dma_semaphore, #tpu.memory_space<semaphore_mem>>) src(%dma_wait3A_180 : memref<100000x64xbf16, #tpu.memory_space<hbm>>) dst(%arg15 : memref<32x64xbf16, #tpu.memory_space<vmem>>)
    %mul3A_181 = arith.constant 32 : i32
    %mul3A_182 = arith.muli %add3A, %mul3A_181 : i32
    "tpu.region"() ({
      %run_scoped3A = tpu.sem_alloc : memref<!tpu.dma_semaphore, #tpu.memory_space<semaphore_mem>>
      %dma_start3A_183 = arith.constant 0 : i32
      %dma_start3A_184 = tpu.memref_slice %arg10[%mul3A_182, %dma_start3A_183] : memref<1024x64xbf16, #tpu.memory_space<hbm>> -> memref<32x64xbf16, #tpu.memory_space<hbm>>
      %dma_start3A_185 = arith.constant 0 : i32
      %dma_start3A_186 = tpu.memref_slice %arg10[%mul3A_182, %dma_start3A_185] : memref<1024x64xbf16, #tpu.memory_space<hbm>> -> memref<32x64xbf16, #tpu.memory_space<hbm>>
      tpu.enqueue_dma source(%arg15 : memref<32x64xbf16, #tpu.memory_space<vmem>>) target(%dma_start3A_186 : memref<32x64xbf16, #tpu.memory_space<hbm>>) target_semaphore(%run_scoped3A : memref<!tpu.dma_semaphore, #tpu.memory_space<semaphore_mem>>)
      %dma_wait3A_187 = arith.constant 0 : i32
      %dma_wait3A_188 = tpu.memref_slice %arg10[%mul3A_182, %dma_wait3A_187] : memref<1024x64xbf16, #tpu.memory_space<hbm>> -> memref<32x64xbf16, #tpu.memory_space<hbm>>
      %dma_wait3A_189 = arith.constant 0 : i32
      %dma_wait3A_190 = tpu.memref_slice %arg10[%mul3A_182, %dma_wait3A_189] : memref<1024x64xbf16, #tpu.memory_space<hbm>> -> memref<32x64xbf16, #tpu.memory_space<hbm>>
      tpu.wait_dma2 semaphore(%run_scoped3A : memref<!tpu.dma_semaphore, #tpu.memory_space<semaphore_mem>>) src(%arg15 : memref<32x64xbf16, #tpu.memory_space<vmem>>) dst(%dma_wait3A_190 : memref<32x64xbf16, #tpu.memory_space<hbm>>)
      tpu.yield
    }) : () -> ()
    return
  }
}

module attributes {stable_mosaic.version = 14 : i64} {
  func.func @body(%arg0: i32, %arg1: memref<7200x64xbf16, #tpu.memory_space<vmem>>, %arg2: memref<7200x64xbf16, #tpu.memory_space<vmem>>, %arg3: memref<800x1xf32, #tpu.memory_space<vmem>>, %arg4: memref<6400x1xf32, #tpu.memory_space<vmem>>, %arg5: memref<16x64xbf16, #tpu.memory_space<vmem>>, %arg6: memref<320x64xbf16, #tpu.memory_space<vmem>>, %arg7: memref<16x800xbf16, #tpu.memory_space<vmem>>, %arg8: memref<800x16xbf16, #tpu.memory_space<vmem>>, %arg9: memref<320x3200xbf16, #tpu.memory_space<vmem>>, %arg10: memref<6400x320xbf16, #tpu.memory_space<vmem>>, %arg11: memref<64x64xf32, #tpu.memory_space<vmem>>, %arg12: memref<64x64xf32, #tpu.memory_space<vmem>>, %arg13: memref<1x64xf32, #tpu.memory_space<vmem>>, %arg14: memref<64x64xf32, #tpu.memory_space<vmem>>, %arg15: memref<1x64xf32, #tpu.memory_space<vmem>>, %arg16: memref<64x64xf32, #tpu.memory_space<vmem>>, %arg17: memref<1x64xf32, #tpu.memory_space<vmem>>, %arg18: memref<64x64xf32, #tpu.memory_space<vmem>>, %arg19: memref<64x1xf32, #tpu.memory_space<vmem>>, %arg20: memref<1x1xf32, #tpu.memory_space<vmem>>, %arg21: memref<16x64xf32, #tpu.memory_space<vmem>>, %arg22: memref<320x64xf32, #tpu.memory_space<vmem>>) attributes {dimension_semantics = [#tpu.dimension_semantics<arbitrary>], iteration_bounds = array<i64: 64>, scalar_prefetch = 0 : i64, scratch_operands = 0 : i64, tpu.core_type = #tpu.core_type<tc>, window_params = [{transform_indices = @transform_0, window_bounds = array<i64: 7200, 64>}, {transform_indices = @transform_1, window_bounds = array<i64: 7200, 64>}, {transform_indices = @transform_2, window_bounds = array<i64: 800, 1>}, {transform_indices = @transform_3, window_bounds = array<i64: 6400, 1>}, {transform_indices = @transform_4, window_bounds = array<i64: 16, 64>}, {transform_indices = @transform_5, window_bounds = array<i64: 320, 64>}, {pipeline_mode = #tpu.pipeline_mode<synchronous>, transform_indices = @transform_6, window_bounds = array<i64: 16, 800>}, {pipeline_mode = #tpu.pipeline_mode<synchronous>, transform_indices = @transform_7, window_bounds = array<i64: 800, 16>}, {pipeline_mode = #tpu.pipeline_mode<synchronous>, transform_indices = @transform_8, window_bounds = array<i64: 320, 3200>}, {pipeline_mode = #tpu.pipeline_mode<synchronous>, transform_indices = @transform_9, window_bounds = array<i64: 6400, 320>}, {pipeline_mode = #tpu.pipeline_mode<synchronous>, transform_indices = @transform_10, window_bounds = array<i64: 64, 64>}, {pipeline_mode = #tpu.pipeline_mode<synchronous>, transform_indices = @transform_11, window_bounds = array<i64: 64, 64>}, {pipeline_mode = #tpu.pipeline_mode<synchronous>, transform_indices = @transform_12, window_bounds = array<i64: 1, 64>}, {pipeline_mode = #tpu.pipeline_mode<synchronous>, transform_indices = @transform_13, window_bounds = array<i64: 64, 64>}, {pipeline_mode = #tpu.pipeline_mode<synchronous>, transform_indices = @transform_14, window_bounds = array<i64: 1, 64>}, {pipeline_mode = #tpu.pipeline_mode<synchronous>, transform_indices = @transform_15, window_bounds = array<i64: 64, 64>}, {pipeline_mode = #tpu.pipeline_mode<synchronous>, transform_indices = @transform_16, window_bounds = array<i64: 1, 64>}, {pipeline_mode = #tpu.pipeline_mode<synchronous>, transform_indices = @transform_17, window_bounds = array<i64: 64, 64>}, {pipeline_mode = #tpu.pipeline_mode<synchronous>, transform_indices = @transform_18, window_bounds = array<i64: 64, 1>}, {pipeline_mode = #tpu.pipeline_mode<synchronous>, transform_indices = @transform_19, window_bounds = array<i64: 1, 1>}, {transform_indices = @transform_20, window_bounds = array<i64: 16, 64>}, {transform_indices = @transform_21, window_bounds = array<i64: 320, 64>}]} {
    %get3A = arith.constant 0 : index
    %get3A_0 = arith.constant 0 : index
    %get3A_1 = vector.load %arg7[%get3A, %get3A_0] : memref<16x800xbf16, #tpu.memory_space<vmem>>, vector<16x800xbf16>
    %get3A_2 = arith.constant 0 : index
    %get3A_3 = arith.constant 0 : index
    %get3A_4 = vector.load %arg8[%get3A_2, %get3A_3] : memref<800x16xbf16, #tpu.memory_space<vmem>>, vector<800x16xbf16>
    %get3A_5 = arith.constant 0 : index
    %get3A_6 = arith.constant 0 : index
    %get3A_7 = vector.load %arg9[%get3A_5, %get3A_6] : memref<320x3200xbf16, #tpu.memory_space<vmem>>, vector<320x3200xbf16>
    %get3A_8 = arith.constant 0 : index
    %get3A_9 = arith.constant 0 : index
    %get3A_10 = vector.load %arg10[%get3A_8, %get3A_9] : memref<6400x320xbf16, #tpu.memory_space<vmem>>, vector<6400x320xbf16>
    %get3A_11 = arith.constant 0 : index
    %get3A_12 = arith.constant 0 : index
    %get3A_13 = vector.load %arg3[%get3A_11, %get3A_12] : memref<800x1xf32, #tpu.memory_space<vmem>>, vector<800x1xf32>
    %get3A_14 = arith.constant 0 : index
    %get3A_15 = arith.constant 0 : index
    %get3A_16 = vector.load %arg4[%get3A_14, %get3A_15] : memref<6400x1xf32, #tpu.memory_space<vmem>>, vector<6400x1xf32>
    %get3A_17 = arith.constant 0 : index
    %get3A_18 = arith.constant 0 : index
    %get3A_19 = vector.load %arg1[%get3A_17, %get3A_18] : memref<7200x64xbf16, #tpu.memory_space<vmem>>, vector<7200x64xbf16>
    %get3A_20 = arith.constant 0 : index
    %get3A_21 = arith.constant 0 : index
    %get3A_22 = vector.load %arg11[%get3A_20, %get3A_21] : memref<64x64xf32, #tpu.memory_space<vmem>>, vector<64x64xf32>
    %convert_element_type3A = arith.truncf %get3A_22 : vector<64x64xf32> to vector<64x64xbf16>
    %dot_general3A = arith.constant dense<0.000000e+00> : vector<7200x64xf32>
    %dot_general3A_23 = tpu.matmul %get3A_19, %convert_element_type3A, %dot_general3A {dimension_numbers = #tpu.dot_dimension_numbers<[1], [0], [0], [1], [0, 0, 1, 1], [], []>, transpose_lhs_hint = false} : vector<7200x64xbf16>, vector<64x64xbf16>, vector<7200x64xf32> -> vector<7200x64xf32>
    %get3A_24 = arith.constant 0 : index
    %get3A_25 = arith.constant 0 : index
    %get3A_26 = vector.load %arg2[%get3A_24, %get3A_25] : memref<7200x64xbf16, #tpu.memory_space<vmem>>, vector<7200x64xbf16>
    %get3A_27 = arith.constant 0 : index
    %get3A_28 = arith.constant 0 : index
    %get3A_29 = vector.load %arg12[%get3A_27, %get3A_28] : memref<64x64xf32, #tpu.memory_space<vmem>>, vector<64x64xf32>
    %convert_element_type3A_30 = arith.truncf %get3A_29 : vector<64x64xf32> to vector<64x64xbf16>
    %dot_general3A_31 = arith.constant dense<0.000000e+00> : vector<7200x64xf32>
    %dot_general3A_32 = tpu.matmul %get3A_26, %convert_element_type3A_30, %dot_general3A_31 {dimension_numbers = #tpu.dot_dimension_numbers<[1], [0], [0], [1], [0, 0, 1, 1], [], []>, transpose_lhs_hint = false} : vector<7200x64xbf16>, vector<64x64xbf16>, vector<7200x64xf32> -> vector<7200x64xf32>
    %add3A = arith.addf %dot_general3A_23, %dot_general3A_32 : vector<7200x64xf32>
    %get3A_33 = arith.constant 0 : index
    %get3A_34 = arith.constant 0 : index
    %get3A_35 = vector.load %arg13[%get3A_33, %get3A_34] : memref<1x64xf32, #tpu.memory_space<vmem>>, vector<1x64xf32>
    %add3A_36 = vector.broadcast %get3A_35 : vector<1x64xf32> to vector<7200x64xf32>
    %add3A_37 = arith.addf %add3A, %add3A_36 : vector<7200x64xf32>
    %max3A = arith.constant 0.000000e+00 : f32
    %max3A_38 = vector.broadcast %max3A : f32 to vector<7200x64xf32>
    %max3A_39 = arith.maximumf %add3A_37, %max3A_38 : vector<7200x64xf32>
    %get3A_40 = arith.constant 0 : index
    %get3A_41 = arith.constant 0 : index
    %get3A_42 = vector.load %arg14[%get3A_40, %get3A_41] : memref<64x64xf32, #tpu.memory_space<vmem>>, vector<64x64xf32>
    %convert_element_type3A_43 = arith.truncf %max3A_39 : vector<7200x64xf32> to vector<7200x64xbf16>
    %convert_element_type3A_44 = arith.truncf %get3A_42 : vector<64x64xf32> to vector<64x64xbf16>
    %dot_general3A_45 = arith.constant dense<0.000000e+00> : vector<7200x64xf32>
    %dot_general3A_46 = tpu.matmul %convert_element_type3A_43, %convert_element_type3A_44, %dot_general3A_45 {dimension_numbers = #tpu.dot_dimension_numbers<[1], [0], [0], [1], [0, 0, 1, 1], [], []>, transpose_lhs_hint = false} : vector<7200x64xbf16>, vector<64x64xbf16>, vector<7200x64xf32> -> vector<7200x64xf32>
    %get3A_47 = arith.constant 0 : index
    %get3A_48 = arith.constant 0 : index
    %get3A_49 = vector.load %arg15[%get3A_47, %get3A_48] : memref<1x64xf32, #tpu.memory_space<vmem>>, vector<1x64xf32>
    %add3A_50 = vector.broadcast %get3A_49 : vector<1x64xf32> to vector<7200x64xf32>
    %add3A_51 = arith.addf %dot_general3A_46, %add3A_50 : vector<7200x64xf32>
    %get3A_52 = arith.constant 0 : index
    %get3A_53 = arith.constant 0 : index
    %get3A_54 = vector.load %arg16[%get3A_52, %get3A_53] : memref<64x64xf32, #tpu.memory_space<vmem>>, vector<64x64xf32>
    %convert_element_type3A_55 = arith.truncf %max3A_39 : vector<7200x64xf32> to vector<7200x64xbf16>
    %convert_element_type3A_56 = arith.truncf %get3A_54 : vector<64x64xf32> to vector<64x64xbf16>
    %dot_general3A_57 = arith.constant dense<0.000000e+00> : vector<7200x64xf32>
    %dot_general3A_58 = tpu.matmul %convert_element_type3A_55, %convert_element_type3A_56, %dot_general3A_57 {dimension_numbers = #tpu.dot_dimension_numbers<[1], [0], [0], [1], [0, 0, 1, 1], [], []>, transpose_lhs_hint = false} : vector<7200x64xbf16>, vector<64x64xbf16>, vector<7200x64xf32> -> vector<7200x64xf32>
    %get3A_59 = arith.constant 0 : index
    %get3A_60 = arith.constant 0 : index
    %get3A_61 = vector.load %arg17[%get3A_59, %get3A_60] : memref<1x64xf32, #tpu.memory_space<vmem>>, vector<1x64xf32>
    %add3A_62 = vector.broadcast %get3A_61 : vector<1x64xf32> to vector<7200x64xf32>
    %add3A_63 = arith.addf %dot_general3A_58, %add3A_62 : vector<7200x64xf32>
    %get3A_64 = arith.constant 0 : index
    %get3A_65 = arith.constant 0 : index
    %get3A_66 = vector.load %arg5[%get3A_64, %get3A_65] : memref<16x64xbf16, #tpu.memory_space<vmem>>, vector<16x64xbf16>
    %get3A_67 = arith.constant 0 : index
    %get3A_68 = arith.constant 0 : index
    %get3A_69 = vector.load %arg18[%get3A_67, %get3A_68] : memref<64x64xf32, #tpu.memory_space<vmem>>, vector<64x64xf32>
    %convert_element_type3A_70 = arith.truncf %get3A_69 : vector<64x64xf32> to vector<64x64xbf16>
    %dot_general3A_71 = arith.constant dense<0.000000e+00> : vector<16x64xf32>
    %dot_general3A_72 = tpu.matmul %get3A_66, %convert_element_type3A_70, %dot_general3A_71 {dimension_numbers = #tpu.dot_dimension_numbers<[1], [0], [0], [1], [0, 0, 1, 1], [], []>, transpose_lhs_hint = false} : vector<16x64xbf16>, vector<64x64xbf16>, vector<16x64xf32> -> vector<16x64xf32>
    %get3A_73 = arith.constant 0 : index
    %get3A_74 = arith.constant 0 : index
    %get3A_75 = vector.load %arg6[%get3A_73, %get3A_74] : memref<320x64xbf16, #tpu.memory_space<vmem>>, vector<320x64xbf16>
    %get3A_76 = arith.constant 0 : index
    %get3A_77 = arith.constant 0 : index
    %get3A_78 = vector.load %arg18[%get3A_76, %get3A_77] : memref<64x64xf32, #tpu.memory_space<vmem>>, vector<64x64xf32>
    %convert_element_type3A_79 = arith.truncf %get3A_78 : vector<64x64xf32> to vector<64x64xbf16>
    %dot_general3A_80 = arith.constant dense<0.000000e+00> : vector<320x64xf32>
    %dot_general3A_81 = tpu.matmul %get3A_75, %convert_element_type3A_79, %dot_general3A_80 {dimension_numbers = #tpu.dot_dimension_numbers<[1], [0], [0], [1], [0, 0, 1, 1], [], []>, transpose_lhs_hint = false} : vector<320x64xbf16>, vector<64x64xbf16>, vector<320x64xf32> -> vector<320x64xf32>
    %convert_element_type3A_82 = arith.truncf %dot_general3A_72 : vector<16x64xf32> to vector<16x64xbf16>
    %dot_general3A_83 = arith.constant dense<0.000000e+00> : vector<800x64xf32>
    %dot_general3A_84 = tpu.matmul %get3A_4, %convert_element_type3A_82, %dot_general3A_83 {dimension_numbers = #tpu.dot_dimension_numbers<[1], [0], [0], [1], [0, 0, 1, 1], [], []>, transpose_lhs_hint = false} : vector<800x16xbf16>, vector<16x64xbf16>, vector<800x64xf32> -> vector<800x64xf32>
    %convert_element_type3A_85 = arith.truncf %dot_general3A_81 : vector<320x64xf32> to vector<320x64xbf16>
    %dot_general3A_86 = arith.constant dense<0.000000e+00> : vector<6400x64xf32>
    %dot_general3A_87 = tpu.matmul %get3A_10, %convert_element_type3A_85, %dot_general3A_86 {dimension_numbers = #tpu.dot_dimension_numbers<[1], [0], [0], [1], [0, 0, 1, 1], [], []>, transpose_lhs_hint = false} : vector<6400x320xbf16>, vector<320x64xbf16>, vector<6400x64xf32> -> vector<6400x64xf32>
    %slice3A = vector.extract_strided_slice %add3A_63 {offsets = [0, 0], sizes = [800, 64], strides = [1, 1]} : vector<7200x64xf32> to vector<800x64xf32>
    %mul3A = vector.broadcast %get3A_13 : vector<800x1xf32> to vector<800x64xf32>
    %mul3A_88 = arith.mulf %mul3A, %dot_general3A_84 : vector<800x64xf32>
    %add3A_89 = arith.addf %slice3A, %mul3A_88 : vector<800x64xf32>
    %max3A_90 = arith.constant 0.000000e+00 : f32
    %max3A_91 = vector.broadcast %max3A_90 : f32 to vector<800x64xf32>
    %max3A_92 = arith.maximumf %add3A_89, %max3A_91 : vector<800x64xf32>
    %slice3A_93 = vector.extract_strided_slice %add3A_63 {offsets = [800, 0], sizes = [6400, 64], strides = [1, 1]} : vector<7200x64xf32> to vector<6400x64xf32>
    %mul3A_94 = vector.broadcast %get3A_16 : vector<6400x1xf32> to vector<6400x64xf32>
    %mul3A_95 = arith.mulf %mul3A_94, %dot_general3A_87 : vector<6400x64xf32>
    %add3A_96 = arith.addf %slice3A_93, %mul3A_95 : vector<6400x64xf32>
    %max3A_97 = arith.constant 0.000000e+00 : f32
    %max3A_98 = vector.broadcast %max3A_97 : f32 to vector<6400x64xf32>
    %max3A_99 = arith.maximumf %add3A_96, %max3A_98 : vector<6400x64xf32>
    %get3A_100 = arith.constant 0 : index
    %get3A_101 = arith.constant 0 : index
    %get3A_102 = vector.load %arg19[%get3A_100, %get3A_101] : memref<64x1xf32, #tpu.memory_space<vmem>>, vector<64x1xf32>
    %convert_element_type3A_103 = arith.truncf %max3A_92 : vector<800x64xf32> to vector<800x64xbf16>
    %convert_element_type3A_104 = arith.truncf %get3A_102 : vector<64x1xf32> to vector<64x1xbf16>
    %dot_general3A_105 = arith.constant dense<0.000000e+00> : vector<800x1xf32>
    %dot_general3A_106 = tpu.matmul %convert_element_type3A_103, %convert_element_type3A_104, %dot_general3A_105 {dimension_numbers = #tpu.dot_dimension_numbers<[1], [0], [0], [1], [0, 0, 1, 1], [], []>, transpose_lhs_hint = false} : vector<800x64xbf16>, vector<64x1xbf16>, vector<800x1xf32> -> vector<800x1xf32>
    %get3A_107 = arith.constant 0 : index
    %get3A_108 = arith.constant 0 : index
    %get3A_109 = vector.load %arg20[%get3A_107, %get3A_108] : memref<1x1xf32, #tpu.memory_space<vmem>>, vector<1x1xf32>
    %add3A_110 = vector.broadcast %get3A_109 : vector<1x1xf32> to vector<800x1xf32>
    %add3A_111 = arith.addf %dot_general3A_106, %add3A_110 : vector<800x1xf32>
    %exp3A = math.exp %add3A_111 : vector<800x1xf32>
    %mul3A_112 = arith.mulf %exp3A, %get3A_13 : vector<800x1xf32>
    %get3A_113 = arith.constant 0 : index
    %get3A_114 = arith.constant 0 : index
    %get3A_115 = vector.load %arg19[%get3A_113, %get3A_114] : memref<64x1xf32, #tpu.memory_space<vmem>>, vector<64x1xf32>
    %convert_element_type3A_116 = arith.truncf %max3A_99 : vector<6400x64xf32> to vector<6400x64xbf16>
    %convert_element_type3A_117 = arith.truncf %get3A_115 : vector<64x1xf32> to vector<64x1xbf16>
    %dot_general3A_118 = arith.constant dense<0.000000e+00> : vector<6400x1xf32>
    %dot_general3A_119 = tpu.matmul %convert_element_type3A_116, %convert_element_type3A_117, %dot_general3A_118 {dimension_numbers = #tpu.dot_dimension_numbers<[1], [0], [0], [1], [0, 0, 1, 1], [], []>, transpose_lhs_hint = false} : vector<6400x64xbf16>, vector<64x1xbf16>, vector<6400x1xf32> -> vector<6400x1xf32>
    %get3A_120 = arith.constant 0 : index
    %get3A_121 = arith.constant 0 : index
    %get3A_122 = vector.load %arg20[%get3A_120, %get3A_121] : memref<1x1xf32, #tpu.memory_space<vmem>>, vector<1x1xf32>
    %add3A_123 = vector.broadcast %get3A_122 : vector<1x1xf32> to vector<6400x1xf32>
    %add3A_124 = arith.addf %dot_general3A_119, %add3A_123 : vector<6400x1xf32>
    %exp3A_125 = math.exp %add3A_124 : vector<6400x1xf32>
    %mul3A_126 = arith.mulf %exp3A_125, %get3A_16 : vector<6400x1xf32>
    %slice3A_127 = vector.extract_strided_slice %add3A_51 {offsets = [0, 0], sizes = [800, 64], strides = [1, 1]} : vector<7200x64xf32> to vector<800x64xf32>
    %mul3A_128 = vector.broadcast %mul3A_112 : vector<800x1xf32> to vector<800x64xf32>
    %mul3A_129 = arith.mulf %mul3A_128, %slice3A_127 : vector<800x64xf32>
    %slice3A_130 = vector.extract_strided_slice %add3A_51 {offsets = [800, 0], sizes = [6400, 64], strides = [1, 1]} : vector<7200x64xf32> to vector<6400x64xf32>
    %mul3A_131 = vector.broadcast %mul3A_126 : vector<6400x1xf32> to vector<6400x64xf32>
    %mul3A_132 = arith.mulf %mul3A_131, %slice3A_130 : vector<6400x64xf32>
    %convert_element_type3A_133 = arith.truncf %mul3A_112 : vector<800x1xf32> to vector<800x1xbf16>
    %dot_general3A_134 = arith.constant dense<0.000000e+00> : vector<16x1xf32>
    %dot_general3A_135 = tpu.matmul %get3A_1, %convert_element_type3A_133, %dot_general3A_134 {dimension_numbers = #tpu.dot_dimension_numbers<[1], [0], [0], [1], [0, 0, 1, 1], [], []>, transpose_lhs_hint = false} : vector<16x800xbf16>, vector<800x1xbf16>, vector<16x1xf32> -> vector<16x1xf32>
    %add3A_136 = arith.constant 1.000000e-10 : f32
    %add3A_137 = vector.broadcast %add3A_136 : f32 to vector<16x1xf32>
    %add3A_138 = arith.addf %dot_general3A_135, %add3A_137 : vector<16x1xf32>
    %convert_element_type3A_139 = arith.truncf %mul3A_129 : vector<800x64xf32> to vector<800x64xbf16>
    %dot_general3A_140 = arith.constant dense<0.000000e+00> : vector<16x64xf32>
    %dot_general3A_141 = tpu.matmul %get3A_1, %convert_element_type3A_139, %dot_general3A_140 {dimension_numbers = #tpu.dot_dimension_numbers<[1], [0], [0], [1], [0, 0, 1, 1], [], []>, transpose_lhs_hint = false} : vector<16x800xbf16>, vector<800x64xbf16>, vector<16x64xf32> -> vector<16x64xf32>
    %slice3A_142 = vector.extract_strided_slice %mul3A_126 {offsets = [0, 0], sizes = [3200, 1], strides = [1, 1]} : vector<6400x1xf32> to vector<3200x1xf32>
    %slice3A_143 = vector.extract_strided_slice %mul3A_126 {offsets = [3200, 0], sizes = [3200, 1], strides = [1, 1]} : vector<6400x1xf32> to vector<3200x1xf32>
    %add3A_144 = arith.addf %slice3A_142, %slice3A_143 : vector<3200x1xf32>
    %convert_element_type3A_145 = arith.truncf %add3A_144 : vector<3200x1xf32> to vector<3200x1xbf16>
    %dot_general3A_146 = arith.constant dense<0.000000e+00> : vector<320x1xf32>
    %dot_general3A_147 = tpu.matmul %get3A_7, %convert_element_type3A_145, %dot_general3A_146 {dimension_numbers = #tpu.dot_dimension_numbers<[1], [0], [0], [1], [0, 0, 1, 1], [], []>, transpose_lhs_hint = false} : vector<320x3200xbf16>, vector<3200x1xbf16>, vector<320x1xf32> -> vector<320x1xf32>
    %add3A_148 = arith.constant 1.000000e-10 : f32
    %add3A_149 = vector.broadcast %add3A_148 : f32 to vector<320x1xf32>
    %add3A_150 = arith.addf %dot_general3A_147, %add3A_149 : vector<320x1xf32>
    %slice3A_151 = vector.extract_strided_slice %mul3A_132 {offsets = [0, 0], sizes = [3200, 64], strides = [1, 1]} : vector<6400x64xf32> to vector<3200x64xf32>
    %slice3A_152 = vector.extract_strided_slice %mul3A_132 {offsets = [3200, 0], sizes = [3200, 64], strides = [1, 1]} : vector<6400x64xf32> to vector<3200x64xf32>
    %add3A_153 = arith.addf %slice3A_151, %slice3A_152 : vector<3200x64xf32>
    %convert_element_type3A_154 = arith.truncf %add3A_153 : vector<3200x64xf32> to vector<3200x64xbf16>
    %dot_general3A_155 = arith.constant dense<0.000000e+00> : vector<320x64xf32>
    %dot_general3A_156 = tpu.matmul %get3A_7, %convert_element_type3A_154, %dot_general3A_155 {dimension_numbers = #tpu.dot_dimension_numbers<[1], [0], [0], [1], [0, 0, 1, 1], [], []>, transpose_lhs_hint = false} : vector<320x3200xbf16>, vector<3200x64xbf16>, vector<320x64xf32> -> vector<320x64xf32>
    %div3A = vector.broadcast %add3A_138 : vector<16x1xf32> to vector<16x64xf32>
    %div3A_157 = arith.divf %dot_general3A_141, %div3A : vector<16x64xf32>
    %swap3A = arith.constant 0 : index
    %swap3A_158 = arith.constant 0 : index
    %swap3A_159 = vector.load %arg21[%swap3A, %swap3A_158] : memref<16x64xf32, #tpu.memory_space<vmem>>, vector<16x64xf32>
    tpu.vector_store %arg21[%swap3A, %swap3A_158], %div3A_157 {strides = array<i32>} : memref<16x64xf32, #tpu.memory_space<vmem>>, vector<16x64xf32>,
    %div3A_160 = vector.broadcast %add3A_150 : vector<320x1xf32> to vector<320x64xf32>
    %div3A_161 = arith.divf %dot_general3A_156, %div3A_160 : vector<320x64xf32>
    %swap3A_162 = arith.constant 0 : index
    %swap3A_163 = arith.constant 0 : index
    %swap3A_164 = vector.load %arg22[%swap3A_162, %swap3A_163] : memref<320x64xf32, #tpu.memory_space<vmem>>, vector<320x64xf32>
    tpu.vector_store %arg22[%swap3A_162, %swap3A_163], %div3A_161 {strides = array<i32>} : memref<320x64xf32, #tpu.memory_space<vmem>>, vector<320x64xf32>,
    return
  }
  func.func @transform_0(%arg0: i32) -> (i32, i32) {
    %c0_i32 = arith.constant 0 : i32
    %c0_i32_0 = arith.constant 0 : i32
    return %arg0, %c0_i32 : i32, i32
  }
  func.func @transform_1(%arg0: i32) -> (i32, i32) {
    %c0_i32 = arith.constant 0 : i32
    %c0_i32_0 = arith.constant 0 : i32
    return %arg0, %c0_i32 : i32, i32
  }
  func.func @transform_2(%arg0: i32) -> (i32, i32) {
    %c0_i32 = arith.constant 0 : i32
    %c0_i32_0 = arith.constant 0 : i32
    return %arg0, %c0_i32 : i32, i32
  }
  func.func @transform_3(%arg0: i32) -> (i32, i32) {
    %c0_i32 = arith.constant 0 : i32
    %c0_i32_0 = arith.constant 0 : i32
    return %arg0, %c0_i32 : i32, i32
  }
  func.func @transform_4(%arg0: i32) -> (i32, i32) {
    %c0_i32 = arith.constant 0 : i32
    %c0_i32_0 = arith.constant 0 : i32
    return %arg0, %c0_i32 : i32, i32
  }
  func.func @transform_5(%arg0: i32) -> (i32, i32) {
    %c0_i32 = arith.constant 0 : i32
    %c0_i32_0 = arith.constant 0 : i32
    return %arg0, %c0_i32 : i32, i32
  }
  func.func @transform_6(%arg0: i32) -> (i32, i32) {
    %c0_i32 = arith.constant 0 : i32
    %c0_i32_0 = arith.constant 0 : i32
    %c0_i32_1 = arith.constant 0 : i32
    return %c0_i32, %c0_i32_0 : i32, i32
  }
  func.func @transform_7(%arg0: i32) -> (i32, i32) {
    %c0_i32 = arith.constant 0 : i32
    %c0_i32_0 = arith.constant 0 : i32
    %c0_i32_1 = arith.constant 0 : i32
    return %c0_i32, %c0_i32_0 : i32, i32
  }
  func.func @transform_8(%arg0: i32) -> (i32, i32) {
    %c0_i32 = arith.constant 0 : i32
    %c0_i32_0 = arith.constant 0 : i32
    %c0_i32_1 = arith.constant 0 : i32
    return %c0_i32, %c0_i32_0 : i32, i32
  }
  func.func @transform_9(%arg0: i32) -> (i32, i32) {
    %c0_i32 = arith.constant 0 : i32
    %c0_i32_0 = arith.constant 0 : i32
    %c0_i32_1 = arith.constant 0 : i32
    return %c0_i32, %c0_i32_0 : i32, i32
  }
  func.func @transform_10(%arg0: i32) -> (i32, i32) {
    %c0_i32 = arith.constant 0 : i32
    %c0_i32_0 = arith.constant 0 : i32
    %c0_i32_1 = arith.constant 0 : i32
    return %c0_i32, %c0_i32_0 : i32, i32
  }
  func.func @transform_11(%arg0: i32) -> (i32, i32) {
    %c0_i32 = arith.constant 0 : i32
    %c0_i32_0 = arith.constant 0 : i32
    %c0_i32_1 = arith.constant 0 : i32
    return %c0_i32, %c0_i32_0 : i32, i32
  }
  func.func @transform_12(%arg0: i32) -> (i32, i32) {
    %c0_i32 = arith.constant 0 : i32
    %c0_i32_0 = arith.constant 0 : i32
    %c0_i32_1 = arith.constant 0 : i32
    return %c0_i32, %c0_i32_0 : i32, i32
  }
  func.func @transform_13(%arg0: i32) -> (i32, i32) {
    %c0_i32 = arith.constant 0 : i32
    %c0_i32_0 = arith.constant 0 : i32
    %c0_i32_1 = arith.constant 0 : i32
    return %c0_i32, %c0_i32_0 : i32, i32
  }
  func.func @transform_14(%arg0: i32) -> (i32, i32) {
    %c0_i32 = arith.constant 0 : i32
    %c0_i32_0 = arith.constant 0 : i32
    %c0_i32_1 = arith.constant 0 : i32
    return %c0_i32, %c0_i32_0 : i32, i32
  }
  func.func @transform_15(%arg0: i32) -> (i32, i32) {
    %c0_i32 = arith.constant 0 : i32
    %c0_i32_0 = arith.constant 0 : i32
    %c0_i32_1 = arith.constant 0 : i32
    return %c0_i32, %c0_i32_0 : i32, i32
  }
  func.func @transform_16(%arg0: i32) -> (i32, i32) {
    %c0_i32 = arith.constant 0 : i32
    %c0_i32_0 = arith.constant 0 : i32
    %c0_i32_1 = arith.constant 0 : i32
    return %c0_i32, %c0_i32_0 : i32, i32
  }
  func.func @transform_17(%arg0: i32) -> (i32, i32) {
    %c0_i32 = arith.constant 0 : i32
    %c0_i32_0 = arith.constant 0 : i32
    %c0_i32_1 = arith.constant 0 : i32
    return %c0_i32, %c0_i32_0 : i32, i32
  }
  func.func @transform_18(%arg0: i32) -> (i32, i32) {
    %c0_i32 = arith.constant 0 : i32
    %c0_i32_0 = arith.constant 0 : i32
    %c0_i32_1 = arith.constant 0 : i32
    return %c0_i32, %c0_i32_0 : i32, i32
  }
  func.func @transform_19(%arg0: i32) -> (i32, i32) {
    %c0_i32 = arith.constant 0 : i32
    %c0_i32_0 = arith.constant 0 : i32
    %c0_i32_1 = arith.constant 0 : i32
    return %c0_i32, %c0_i32_0 : i32, i32
  }
  func.func @transform_20(%arg0: i32) -> (i32, i32) {
    %c0_i32 = arith.constant 0 : i32
    %c0_i32_0 = arith.constant 0 : i32
    return %arg0, %c0_i32 : i32, i32
  }
  func.func @transform_21(%arg0: i32) -> (i32, i32) {
    %c0_i32 = arith.constant 0 : i32
    %c0_i32_0 = arith.constant 0 : i32
    return %arg0, %c0_i32 : i32, i32
  }
}

module attributes {stable_mosaic.version = 14 : i64} {
  func.func @body(%arg0: i32, %arg1: memref<128x64xf32, #tpu.memory_space<vmem>>, %arg2: memref<2560x64xf32, #tpu.memory_space<vmem>>, %arg3: memref<2560x64xbf16, #tpu.memory_space<vmem>>, %arg4: memref<2560x1xf32, #tpu.memory_space<vmem>>, %arg5: memref<128x2560xbf16, #tpu.memory_space<vmem>>, %arg6: memref<64x64xf32, #tpu.memory_space<vmem>>, %arg7: memref<1x64xf32, #tpu.memory_space<vmem>>, %arg8: memref<64x64xf32, #tpu.memory_space<vmem>>, %arg9: memref<64x64xf32, #tpu.memory_space<vmem>>, %arg10: memref<1x64xf32, #tpu.memory_space<vmem>>, %arg11: memref<64x1xf32, #tpu.memory_space<vmem>>, %arg12: memref<1x1xf32, #tpu.memory_space<vmem>>, %arg13: memref<64x64xf32, #tpu.memory_space<vmem>>, %arg14: memref<1x64xf32, #tpu.memory_space<vmem>>, %arg15: memref<64x64xf32, #tpu.memory_space<vmem>>, %arg16: memref<64x64xf32, #tpu.memory_space<vmem>>, %arg17: memref<1x64xf32, #tpu.memory_space<vmem>>, %arg18: memref<64x64xf32, #tpu.memory_space<vmem>>, %arg19: memref<1x64xf32, #tpu.memory_space<vmem>>, %arg20: memref<64x64xf32, #tpu.memory_space<vmem>>, %arg21: memref<1x64xf32, #tpu.memory_space<vmem>>, %arg22: memref<128x64xf32, #tpu.memory_space<vmem>>) attributes {dimension_semantics = [#tpu.dimension_semantics<arbitrary>], iteration_bounds = array<i64: 8>, scalar_prefetch = 0 : i64, scratch_operands = 0 : i64, tpu.core_type = #tpu.core_type<tc>, window_params = [{transform_indices = @transform_0, window_bounds = array<i64: 128, 64>}, {transform_indices = @transform_1, window_bounds = array<i64: 2560, 64>}, {transform_indices = @transform_2, window_bounds = array<i64: 2560, 64>}, {transform_indices = @transform_3, window_bounds = array<i64: 2560, 1>}, {pipeline_mode = #tpu.pipeline_mode<synchronous>, transform_indices = @transform_4, window_bounds = array<i64: 128, 2560>}, {pipeline_mode = #tpu.pipeline_mode<synchronous>, transform_indices = @transform_5, window_bounds = array<i64: 64, 64>}, {pipeline_mode = #tpu.pipeline_mode<synchronous>, transform_indices = @transform_6, window_bounds = array<i64: 1, 64>}, {pipeline_mode = #tpu.pipeline_mode<synchronous>, transform_indices = @transform_7, window_bounds = array<i64: 64, 64>}, {pipeline_mode = #tpu.pipeline_mode<synchronous>, transform_indices = @transform_8, window_bounds = array<i64: 64, 64>}, {pipeline_mode = #tpu.pipeline_mode<synchronous>, transform_indices = @transform_9, window_bounds = array<i64: 1, 64>}, {pipeline_mode = #tpu.pipeline_mode<synchronous>, transform_indices = @transform_10, window_bounds = array<i64: 64, 1>}, {pipeline_mode = #tpu.pipeline_mode<synchronous>, transform_indices = @transform_11, window_bounds = array<i64: 1, 1>}, {pipeline_mode = #tpu.pipeline_mode<synchronous>, transform_indices = @transform_12, window_bounds = array<i64: 64, 64>}, {pipeline_mode = #tpu.pipeline_mode<synchronous>, transform_indices = @transform_13, window_bounds = array<i64: 1, 64>}, {pipeline_mode = #tpu.pipeline_mode<synchronous>, transform_indices = @transform_14, window_bounds = array<i64: 64, 64>}, {pipeline_mode = #tpu.pipeline_mode<synchronous>, transform_indices = @transform_15, window_bounds = array<i64: 64, 64>}, {pipeline_mode = #tpu.pipeline_mode<synchronous>, transform_indices = @transform_16, window_bounds = array<i64: 1, 64>}, {pipeline_mode = #tpu.pipeline_mode<synchronous>, transform_indices = @transform_17, window_bounds = array<i64: 64, 64>}, {pipeline_mode = #tpu.pipeline_mode<synchronous>, transform_indices = @transform_18, window_bounds = array<i64: 1, 64>}, {pipeline_mode = #tpu.pipeline_mode<synchronous>, transform_indices = @transform_19, window_bounds = array<i64: 64, 64>}, {pipeline_mode = #tpu.pipeline_mode<synchronous>, transform_indices = @transform_20, window_bounds = array<i64: 1, 64>}, {transform_indices = @transform_21, window_bounds = array<i64: 128, 64>}]} {
    %get3A = arith.constant 0 : index
    %get3A_0 = arith.constant 0 : index
    %get3A_1 = vector.load %arg5[%get3A, %get3A_0] : memref<128x2560xbf16, #tpu.memory_space<vmem>>, vector<128x2560xbf16>
    %get3A_2 = arith.constant 0 : index
    %get3A_3 = arith.constant 0 : index
    %get3A_4 = vector.load %arg1[%get3A_2, %get3A_3] : memref<128x64xf32, #tpu.memory_space<vmem>>, vector<128x64xf32>
    %get3A_5 = arith.constant 0 : index
    %get3A_6 = arith.constant 0 : index
    %get3A_7 = vector.load %arg6[%get3A_5, %get3A_6] : memref<64x64xf32, #tpu.memory_space<vmem>>, vector<64x64xf32>
    %convert_element_type3A = arith.truncf %get3A_4 : vector<128x64xf32> to vector<128x64xbf16>
    %convert_element_type3A_8 = arith.truncf %get3A_7 : vector<64x64xf32> to vector<64x64xbf16>
    %dot_general3A = arith.constant dense<0.000000e+00> : vector<128x64xf32>
    %dot_general3A_9 = tpu.matmul %convert_element_type3A, %convert_element_type3A_8, %dot_general3A {dimension_numbers = #tpu.dot_dimension_numbers<[1], [0], [0], [1], [0, 0, 1, 1], [], []>, transpose_lhs_hint = false} : vector<128x64xbf16>, vector<64x64xbf16>, vector<128x64xf32> -> vector<128x64xf32>
    %get3A_10 = arith.constant 0 : index
    %get3A_11 = arith.constant 0 : index
    %get3A_12 = vector.load %arg7[%get3A_10, %get3A_11] : memref<1x64xf32, #tpu.memory_space<vmem>>, vector<1x64xf32>
    %add3A = vector.broadcast %get3A_12 : vector<1x64xf32> to vector<128x64xf32>
    %add3A_13 = arith.addf %dot_general3A_9, %add3A : vector<128x64xf32>
    %max3A = arith.constant 0.000000e+00 : f32
    %max3A_14 = vector.broadcast %max3A : f32 to vector<128x64xf32>
    %max3A_15 = arith.maximumf %add3A_13, %max3A_14 : vector<128x64xf32>
    %get3A_16 = arith.constant 0 : index
    %get3A_17 = arith.constant 0 : index
    %get3A_18 = vector.load %arg2[%get3A_16, %get3A_17] : memref<2560x64xf32, #tpu.memory_space<vmem>>, vector<2560x64xf32>
    %get3A_19 = arith.constant 0 : index
    %get3A_20 = arith.constant 0 : index
    %get3A_21 = vector.load %arg6[%get3A_19, %get3A_20] : memref<64x64xf32, #tpu.memory_space<vmem>>, vector<64x64xf32>
    %convert_element_type3A_22 = arith.truncf %get3A_18 : vector<2560x64xf32> to vector<2560x64xbf16>
    %convert_element_type3A_23 = arith.truncf %get3A_21 : vector<64x64xf32> to vector<64x64xbf16>
    %dot_general3A_24 = arith.constant dense<0.000000e+00> : vector<2560x64xf32>
    %dot_general3A_25 = tpu.matmul %convert_element_type3A_22, %convert_element_type3A_23, %dot_general3A_24 {dimension_numbers = #tpu.dot_dimension_numbers<[1], [0], [0], [1], [0, 0, 1, 1], [], []>, transpose_lhs_hint = false} : vector<2560x64xbf16>, vector<64x64xbf16>, vector<2560x64xf32> -> vector<2560x64xf32>
    %get3A_26 = arith.constant 0 : index
    %get3A_27 = arith.constant 0 : index
    %get3A_28 = vector.load %arg7[%get3A_26, %get3A_27] : memref<1x64xf32, #tpu.memory_space<vmem>>, vector<1x64xf32>
    %add3A_29 = vector.broadcast %get3A_28 : vector<1x64xf32> to vector<2560x64xf32>
    %add3A_30 = arith.addf %dot_general3A_25, %add3A_29 : vector<2560x64xf32>
    %max3A_31 = arith.constant 0.000000e+00 : f32
    %max3A_32 = vector.broadcast %max3A_31 : f32 to vector<2560x64xf32>
    %max3A_33 = arith.maximumf %add3A_30, %max3A_32 : vector<2560x64xf32>
    %get3A_34 = arith.constant 0 : index
    %get3A_35 = arith.constant 0 : index
    %get3A_36 = vector.load %arg8[%get3A_34, %get3A_35] : memref<64x64xf32, #tpu.memory_space<vmem>>, vector<64x64xf32>
    %convert_element_type3A_37 = arith.truncf %max3A_33 : vector<2560x64xf32> to vector<2560x64xbf16>
    %convert_element_type3A_38 = arith.truncf %get3A_36 : vector<64x64xf32> to vector<64x64xbf16>
    %dot_general3A_39 = arith.constant dense<0.000000e+00> : vector<2560x64xf32>
    %dot_general3A_40 = tpu.matmul %convert_element_type3A_37, %convert_element_type3A_38, %dot_general3A_39 {dimension_numbers = #tpu.dot_dimension_numbers<[1], [0], [0], [1], [0, 0, 1, 1], [], []>, transpose_lhs_hint = false} : vector<2560x64xbf16>, vector<64x64xbf16>, vector<2560x64xf32> -> vector<2560x64xf32>
    %get3A_41 = arith.constant 0 : index
    %get3A_42 = arith.constant 0 : index
    %get3A_43 = vector.load %arg3[%get3A_41, %get3A_42] : memref<2560x64xbf16, #tpu.memory_space<vmem>>, vector<2560x64xbf16>
    %get3A_44 = arith.constant 0 : index
    %get3A_45 = arith.constant 0 : index
    %get3A_46 = vector.load %arg9[%get3A_44, %get3A_45] : memref<64x64xf32, #tpu.memory_space<vmem>>, vector<64x64xf32>
    %convert_element_type3A_47 = arith.truncf %get3A_46 : vector<64x64xf32> to vector<64x64xbf16>
    %dot_general3A_48 = arith.constant dense<0.000000e+00> : vector<2560x64xf32>
    %dot_general3A_49 = tpu.matmul %get3A_43, %convert_element_type3A_47, %dot_general3A_48 {dimension_numbers = #tpu.dot_dimension_numbers<[1], [0], [0], [1], [0, 0, 1, 1], [], []>, transpose_lhs_hint = false} : vector<2560x64xbf16>, vector<64x64xbf16>, vector<2560x64xf32> -> vector<2560x64xf32>
    %add3A_50 = arith.addf %dot_general3A_40, %dot_general3A_49 : vector<2560x64xf32>
    %get3A_51 = arith.constant 0 : index
    %get3A_52 = arith.constant 0 : index
    %get3A_53 = vector.load %arg10[%get3A_51, %get3A_52] : memref<1x64xf32, #tpu.memory_space<vmem>>, vector<1x64xf32>
    %add3A_54 = vector.broadcast %get3A_53 : vector<1x64xf32> to vector<2560x64xf32>
    %add3A_55 = arith.addf %add3A_50, %add3A_54 : vector<2560x64xf32>
    %max3A_56 = arith.constant 0.000000e+00 : f32
    %max3A_57 = vector.broadcast %max3A_56 : f32 to vector<2560x64xf32>
    %max3A_58 = arith.maximumf %add3A_55, %max3A_57 : vector<2560x64xf32>
    %get3A_59 = arith.constant 0 : index
    %get3A_60 = arith.constant 0 : index
    %get3A_61 = vector.load %arg11[%get3A_59, %get3A_60] : memref<64x1xf32, #tpu.memory_space<vmem>>, vector<64x1xf32>
    %convert_element_type3A_62 = arith.truncf %max3A_58 : vector<2560x64xf32> to vector<2560x64xbf16>
    %convert_element_type3A_63 = arith.truncf %get3A_61 : vector<64x1xf32> to vector<64x1xbf16>
    %dot_general3A_64 = arith.constant dense<0.000000e+00> : vector<2560x1xf32>
    %dot_general3A_65 = tpu.matmul %convert_element_type3A_62, %convert_element_type3A_63, %dot_general3A_64 {dimension_numbers = #tpu.dot_dimension_numbers<[1], [0], [0], [1], [0, 0, 1, 1], [], []>, transpose_lhs_hint = false} : vector<2560x64xbf16>, vector<64x1xbf16>, vector<2560x1xf32> -> vector<2560x1xf32>
    %get3A_66 = arith.constant 0 : index
    %get3A_67 = arith.constant 0 : index
    %get3A_68 = vector.load %arg12[%get3A_66, %get3A_67] : memref<1x1xf32, #tpu.memory_space<vmem>>, vector<1x1xf32>
    %add3A_69 = vector.broadcast %get3A_68 : vector<1x1xf32> to vector<2560x1xf32>
    %add3A_70 = arith.addf %dot_general3A_65, %add3A_69 : vector<2560x1xf32>
    %exp3A = math.exp %add3A_70 : vector<2560x1xf32>
    %get3A_71 = arith.constant 0 : index
    %get3A_72 = arith.constant 0 : index
    %get3A_73 = vector.load %arg4[%get3A_71, %get3A_72] : memref<2560x1xf32, #tpu.memory_space<vmem>>, vector<2560x1xf32>
    %mul3A = arith.mulf %exp3A, %get3A_73 : vector<2560x1xf32>
    %convert_element_type3A_74 = arith.truncf %mul3A : vector<2560x1xf32> to vector<2560x1xbf16>
    %dot_general3A_75 = arith.constant dense<0.000000e+00> : vector<128x1xf32>
    %dot_general3A_76 = tpu.matmul %get3A_1, %convert_element_type3A_74, %dot_general3A_75 {dimension_numbers = #tpu.dot_dimension_numbers<[1], [0], [0], [1], [0, 0, 1, 1], [], []>, transpose_lhs_hint = false} : vector<128x2560xbf16>, vector<2560x1xbf16>, vector<128x1xf32> -> vector<128x1xf32>
    %add3A_77 = arith.constant 1.000000e-10 : f32
    %add3A_78 = vector.broadcast %add3A_77 : f32 to vector<128x1xf32>
    %add3A_79 = arith.addf %dot_general3A_76, %add3A_78 : vector<128x1xf32>
    %mul3A_80 = vector.broadcast %mul3A : vector<2560x1xf32> to vector<2560x64xf32>
    %mul3A_81 = arith.mulf %mul3A_80, %max3A_33 : vector<2560x64xf32>
    %convert_element_type3A_82 = arith.truncf %mul3A_81 : vector<2560x64xf32> to vector<2560x64xbf16>
    %dot_general3A_83 = arith.constant dense<0.000000e+00> : vector<128x64xf32>
    %dot_general3A_84 = tpu.matmul %get3A_1, %convert_element_type3A_82, %dot_general3A_83 {dimension_numbers = #tpu.dot_dimension_numbers<[1], [0], [0], [1], [0, 0, 1, 1], [], []>, transpose_lhs_hint = false} : vector<128x2560xbf16>, vector<2560x64xbf16>, vector<128x64xf32> -> vector<128x64xf32>
    %div3A = vector.broadcast %add3A_79 : vector<128x1xf32> to vector<128x64xf32>
    %div3A_85 = arith.divf %dot_general3A_84, %div3A : vector<128x64xf32>
    %get3A_86 = arith.constant 0 : index
    %get3A_87 = arith.constant 0 : index
    %get3A_88 = vector.load %arg13[%get3A_86, %get3A_87] : memref<64x64xf32, #tpu.memory_space<vmem>>, vector<64x64xf32>
    %convert_element_type3A_89 = arith.truncf %div3A_85 : vector<128x64xf32> to vector<128x64xbf16>
    %convert_element_type3A_90 = arith.truncf %get3A_88 : vector<64x64xf32> to vector<64x64xbf16>
    %dot_general3A_91 = arith.constant dense<0.000000e+00> : vector<128x64xf32>
    %dot_general3A_92 = tpu.matmul %convert_element_type3A_89, %convert_element_type3A_90, %dot_general3A_91 {dimension_numbers = #tpu.dot_dimension_numbers<[1], [0], [0], [1], [0, 0, 1, 1], [], []>, transpose_lhs_hint = false} : vector<128x64xbf16>, vector<64x64xbf16>, vector<128x64xf32> -> vector<128x64xf32>
    %get3A_93 = arith.constant 0 : index
    %get3A_94 = arith.constant 0 : index
    %get3A_95 = vector.load %arg14[%get3A_93, %get3A_94] : memref<1x64xf32, #tpu.memory_space<vmem>>, vector<1x64xf32>
    %add3A_96 = vector.broadcast %get3A_95 : vector<1x64xf32> to vector<128x64xf32>
    %add3A_97 = arith.addf %dot_general3A_92, %add3A_96 : vector<128x64xf32>
    %max3A_98 = arith.constant 0.000000e+00 : f32
    %max3A_99 = vector.broadcast %max3A_98 : f32 to vector<128x64xf32>
    %max3A_100 = arith.maximumf %add3A_97, %max3A_99 : vector<128x64xf32>
    %get3A_101 = arith.constant 0 : index
    %get3A_102 = arith.constant 0 : index
    %get3A_103 = vector.load %arg15[%get3A_101, %get3A_102] : memref<64x64xf32, #tpu.memory_space<vmem>>, vector<64x64xf32>
    %convert_element_type3A_104 = arith.truncf %max3A_15 : vector<128x64xf32> to vector<128x64xbf16>
    %convert_element_type3A_105 = arith.truncf %get3A_103 : vector<64x64xf32> to vector<64x64xbf16>
    %dot_general3A_106 = arith.constant dense<0.000000e+00> : vector<128x64xf32>
    %dot_general3A_107 = tpu.matmul %convert_element_type3A_104, %convert_element_type3A_105, %dot_general3A_106 {dimension_numbers = #tpu.dot_dimension_numbers<[1], [0], [0], [1], [0, 0, 1, 1], [], []>, transpose_lhs_hint = false} : vector<128x64xbf16>, vector<64x64xbf16>, vector<128x64xf32> -> vector<128x64xf32>
    %get3A_108 = arith.constant 0 : index
    %get3A_109 = arith.constant 0 : index
    %get3A_110 = vector.load %arg16[%get3A_108, %get3A_109] : memref<64x64xf32, #tpu.memory_space<vmem>>, vector<64x64xf32>
    %convert_element_type3A_111 = arith.truncf %max3A_100 : vector<128x64xf32> to vector<128x64xbf16>
    %convert_element_type3A_112 = arith.truncf %get3A_110 : vector<64x64xf32> to vector<64x64xbf16>
    %dot_general3A_113 = arith.constant dense<0.000000e+00> : vector<128x64xf32>
    %dot_general3A_114 = tpu.matmul %convert_element_type3A_111, %convert_element_type3A_112, %dot_general3A_113 {dimension_numbers = #tpu.dot_dimension_numbers<[1], [0], [0], [1], [0, 0, 1, 1], [], []>, transpose_lhs_hint = false} : vector<128x64xbf16>, vector<64x64xbf16>, vector<128x64xf32> -> vector<128x64xf32>
    %add3A_115 = arith.addf %dot_general3A_107, %dot_general3A_114 : vector<128x64xf32>
    %get3A_116 = arith.constant 0 : index
    %get3A_117 = arith.constant 0 : index
    %get3A_118 = vector.load %arg17[%get3A_116, %get3A_117] : memref<1x64xf32, #tpu.memory_space<vmem>>, vector<1x64xf32>
    %add3A_119 = vector.broadcast %get3A_118 : vector<1x64xf32> to vector<128x64xf32>
    %add3A_120 = arith.addf %add3A_115, %add3A_119 : vector<128x64xf32>
    %max3A_121 = arith.constant 0.000000e+00 : f32
    %max3A_122 = vector.broadcast %max3A_121 : f32 to vector<128x64xf32>
    %max3A_123 = arith.maximumf %add3A_120, %max3A_122 : vector<128x64xf32>
    %get3A_124 = arith.constant 0 : index
    %get3A_125 = arith.constant 0 : index
    %get3A_126 = vector.load %arg18[%get3A_124, %get3A_125] : memref<64x64xf32, #tpu.memory_space<vmem>>, vector<64x64xf32>
    %convert_element_type3A_127 = arith.truncf %max3A_123 : vector<128x64xf32> to vector<128x64xbf16>
    %convert_element_type3A_128 = arith.truncf %get3A_126 : vector<64x64xf32> to vector<64x64xbf16>
    %dot_general3A_129 = arith.constant dense<0.000000e+00> : vector<128x64xf32>
    %dot_general3A_130 = tpu.matmul %convert_element_type3A_127, %convert_element_type3A_128, %dot_general3A_129 {dimension_numbers = #tpu.dot_dimension_numbers<[1], [0], [0], [1], [0, 0, 1, 1], [], []>, transpose_lhs_hint = false} : vector<128x64xbf16>, vector<64x64xbf16>, vector<128x64xf32> -> vector<128x64xf32>
    %get3A_131 = arith.constant 0 : index
    %get3A_132 = arith.constant 0 : index
    %get3A_133 = vector.load %arg19[%get3A_131, %get3A_132] : memref<1x64xf32, #tpu.memory_space<vmem>>, vector<1x64xf32>
    %add3A_134 = vector.broadcast %get3A_133 : vector<1x64xf32> to vector<128x64xf32>
    %add3A_135 = arith.addf %dot_general3A_130, %add3A_134 : vector<128x64xf32>
    %max3A_136 = arith.constant 0.000000e+00 : f32
    %max3A_137 = vector.broadcast %max3A_136 : f32 to vector<128x64xf32>
    %max3A_138 = arith.maximumf %add3A_135, %max3A_137 : vector<128x64xf32>
    %get3A_139 = arith.constant 0 : index
    %get3A_140 = arith.constant 0 : index
    %get3A_141 = vector.load %arg20[%get3A_139, %get3A_140] : memref<64x64xf32, #tpu.memory_space<vmem>>, vector<64x64xf32>
    %convert_element_type3A_142 = arith.truncf %max3A_138 : vector<128x64xf32> to vector<128x64xbf16>
    %convert_element_type3A_143 = arith.truncf %get3A_141 : vector<64x64xf32> to vector<64x64xbf16>
    %dot_general3A_144 = arith.constant dense<0.000000e+00> : vector<128x64xf32>
    %dot_general3A_145 = tpu.matmul %convert_element_type3A_142, %convert_element_type3A_143, %dot_general3A_144 {dimension_numbers = #tpu.dot_dimension_numbers<[1], [0], [0], [1], [0, 0, 1, 1], [], []>, transpose_lhs_hint = false} : vector<128x64xbf16>, vector<64x64xbf16>, vector<128x64xf32> -> vector<128x64xf32>
    %get3A_146 = arith.constant 0 : index
    %get3A_147 = arith.constant 0 : index
    %get3A_148 = vector.load %arg21[%get3A_146, %get3A_147] : memref<1x64xf32, #tpu.memory_space<vmem>>, vector<1x64xf32>
    %add3A_149 = vector.broadcast %get3A_148 : vector<1x64xf32> to vector<128x64xf32>
    %add3A_150 = arith.addf %dot_general3A_145, %add3A_149 : vector<128x64xf32>
    %max3A_151 = arith.constant 0.000000e+00 : f32
    %max3A_152 = vector.broadcast %max3A_151 : f32 to vector<128x64xf32>
    %max3A_153 = arith.maximumf %add3A_150, %max3A_152 : vector<128x64xf32>
    %swap3A = arith.constant 0 : index
    %swap3A_154 = arith.constant 0 : index
    %swap3A_155 = vector.load %arg22[%swap3A, %swap3A_154] : memref<128x64xf32, #tpu.memory_space<vmem>>, vector<128x64xf32>
    tpu.vector_store %arg22[%swap3A, %swap3A_154], %max3A_153 {strides = array<i32>} : memref<128x64xf32, #tpu.memory_space<vmem>>, vector<128x64xf32>,
    return
  }
  func.func @transform_0(%arg0: i32) -> (i32, i32) {
    %c0_i32 = arith.constant 0 : i32
    %c0_i32_0 = arith.constant 0 : i32
    return %arg0, %c0_i32 : i32, i32
  }
  func.func @transform_1(%arg0: i32) -> (i32, i32) {
    %c0_i32 = arith.constant 0 : i32
    %c0_i32_0 = arith.constant 0 : i32
    return %arg0, %c0_i32 : i32, i32
  }
  func.func @transform_2(%arg0: i32) -> (i32, i32) {
    %c0_i32 = arith.constant 0 : i32
    %c0_i32_0 = arith.constant 0 : i32
    return %arg0, %c0_i32 : i32, i32
  }
  func.func @transform_3(%arg0: i32) -> (i32, i32) {
    %c0_i32 = arith.constant 0 : i32
    %c0_i32_0 = arith.constant 0 : i32
    return %arg0, %c0_i32 : i32, i32
  }
  func.func @transform_4(%arg0: i32) -> (i32, i32) {
    %c0_i32 = arith.constant 0 : i32
    %c0_i32_0 = arith.constant 0 : i32
    %c0_i32_1 = arith.constant 0 : i32
    return %c0_i32, %c0_i32_0 : i32, i32
  }
  func.func @transform_5(%arg0: i32) -> (i32, i32) {
    %c0_i32 = arith.constant 0 : i32
    %c0_i32_0 = arith.constant 0 : i32
    %c0_i32_1 = arith.constant 0 : i32
    return %c0_i32, %c0_i32_0 : i32, i32
  }
  func.func @transform_6(%arg0: i32) -> (i32, i32) {
    %c0_i32 = arith.constant 0 : i32
    %c0_i32_0 = arith.constant 0 : i32
    %c0_i32_1 = arith.constant 0 : i32
    return %c0_i32, %c0_i32_0 : i32, i32
  }
  func.func @transform_7(%arg0: i32) -> (i32, i32) {
    %c0_i32 = arith.constant 0 : i32
    %c0_i32_0 = arith.constant 0 : i32
    %c0_i32_1 = arith.constant 0 : i32
    return %c0_i32, %c0_i32_0 : i32, i32
  }
  func.func @transform_8(%arg0: i32) -> (i32, i32) {
    %c0_i32 = arith.constant 0 : i32
    %c0_i32_0 = arith.constant 0 : i32
    %c0_i32_1 = arith.constant 0 : i32
    return %c0_i32, %c0_i32_0 : i32, i32
  }
  func.func @transform_9(%arg0: i32) -> (i32, i32) {
    %c0_i32 = arith.constant 0 : i32
    %c0_i32_0 = arith.constant 0 : i32
    %c0_i32_1 = arith.constant 0 : i32
    return %c0_i32, %c0_i32_0 : i32, i32
  }
  func.func @transform_10(%arg0: i32) -> (i32, i32) {
    %c0_i32 = arith.constant 0 : i32
    %c0_i32_0 = arith.constant 0 : i32
    %c0_i32_1 = arith.constant 0 : i32
    return %c0_i32, %c0_i32_0 : i32, i32
  }
  func.func @transform_11(%arg0: i32) -> (i32, i32) {
    %c0_i32 = arith.constant 0 : i32
    %c0_i32_0 = arith.constant 0 : i32
    %c0_i32_1 = arith.constant 0 : i32
    return %c0_i32, %c0_i32_0 : i32, i32
  }
  func.func @transform_12(%arg0: i32) -> (i32, i32) {
    %c0_i32 = arith.constant 0 : i32
    %c0_i32_0 = arith.constant 0 : i32
    %c0_i32_1 = arith.constant 0 : i32
    return %c0_i32, %c0_i32_0 : i32, i32
  }
  func.func @transform_13(%arg0: i32) -> (i32, i32) {
    %c0_i32 = arith.constant 0 : i32
    %c0_i32_0 = arith.constant 0 : i32
    %c0_i32_1 = arith.constant 0 : i32
    return %c0_i32, %c0_i32_0 : i32, i32
  }
  func.func @transform_14(%arg0: i32) -> (i32, i32) {
    %c0_i32 = arith.constant 0 : i32
    %c0_i32_0 = arith.constant 0 : i32
    %c0_i32_1 = arith.constant 0 : i32
    return %c0_i32, %c0_i32_0 : i32, i32
  }
  func.func @transform_15(%arg0: i32) -> (i32, i32) {
    %c0_i32 = arith.constant 0 : i32
    %c0_i32_0 = arith.constant 0 : i32
    %c0_i32_1 = arith.constant 0 : i32
    return %c0_i32, %c0_i32_0 : i32, i32
  }
  func.func @transform_16(%arg0: i32) -> (i32, i32) {
    %c0_i32 = arith.constant 0 : i32
    %c0_i32_0 = arith.constant 0 : i32
    %c0_i32_1 = arith.constant 0 : i32
    return %c0_i32, %c0_i32_0 : i32, i32
  }
  func.func @transform_17(%arg0: i32) -> (i32, i32) {
    %c0_i32 = arith.constant 0 : i32
    %c0_i32_0 = arith.constant 0 : i32
    %c0_i32_1 = arith.constant 0 : i32
    return %c0_i32, %c0_i32_0 : i32, i32
  }
  func.func @transform_18(%arg0: i32) -> (i32, i32) {
    %c0_i32 = arith.constant 0 : i32
    %c0_i32_0 = arith.constant 0 : i32
    %c0_i32_1 = arith.constant 0 : i32
    return %c0_i32, %c0_i32_0 : i32, i32
  }
  func.func @transform_19(%arg0: i32) -> (i32, i32) {
    %c0_i32 = arith.constant 0 : i32
    %c0_i32_0 = arith.constant 0 : i32
    %c0_i32_1 = arith.constant 0 : i32
    return %c0_i32, %c0_i32_0 : i32, i32
  }
  func.func @transform_20(%arg0: i32) -> (i32, i32) {
    %c0_i32 = arith.constant 0 : i32
    %c0_i32_0 = arith.constant 0 : i32
    %c0_i32_1 = arith.constant 0 : i32
    return %c0_i32, %c0_i32_0 : i32, i32
  }
  func.func @transform_21(%arg0: i32) -> (i32, i32) {
    %c0_i32 = arith.constant 0 : i32
    %c0_i32_0 = arith.constant 0 : i32
    return %arg0, %c0_i32 : i32, i32
  }
}

</mosaic_0001>

<sc_bundles>
// kernel: kernel.5.cloned.1.call-start
scs
__scs_entry_jumppad:
0x0: {  	(pc) =	sbr.rel $0x88, $3  }
0x1: {  	(tag) =	ssettag $0x0;
	lr =	simm.s32 $0x1  }
0x2: {  	[smem:$0x3F84] =	sst lr;
	_ =	strace $0xD0000000  }
0x3: {  	_ = 	snop  }
0x4: {  	_ = 	snop  }
0x5: {  	_ = 	snop  }
0x6: {  	_ = 	snop  }
0x7: {  	_ = 	snop  }
__scs_overlays_trampoline_lowered:
0x8: {  	[smem:$0x3F93] =	sst s0  }
0x9: {  	[smem:$0x3F94] =	sst s1  }
0xa: {  	[smem:$0x3F95] =	sst s2  }
0xb: {  	[smem:$0x3F96] =	sst s3  }
0xc: {  	[smem:$0x3F97] =	sst s4  }
0xd: {  	[smem:$0x3F98] =	sst s5  }
0xe: {  	[smem:$0x3F99] =	sst s6  }
0xf: {  	[smem:$0x3F9A] =	sst s7  }
0x10: {  	[smem:$0x3F9B] =	sst s8  }
0x11: {  	[smem:$0x3F9C] =	sst s9;
	s0 =	simm.s32 @!p0 $0x0  }
0x12: {  	s1 =	sld [smem:$0x3F82];
	s0 =	simm.s32 @p0 $0x1  }
0x13: {  	[smem:$0x3F9D] =	sst s0;
	s0 =	simm.s32 @!p1 $0x0  }
0x14: {  	s2 =	sld [smem:$0x3F81];
	s0 =	simm.s32 @p1 $0x1  }
0x15: {  	[smem:$0x3F9E] =	sst s0;
	s0 =	simm.s32 @!p2 $0x0  }
0x16: {  	s3 =	sld [smem:$0x3FDB];
	s0 =	simm.s32 @p2 $0x1  }
0x17: {  	s4 =	simm.s32 $0x1BF5;
	[smem:$0x3FA0] =	sst s0  }
0x18: {  	s0 =	sld [smem:$0x3F83];
	_ =	swait.ge [sflag:s4], $0x0  }
0x19: {  	s7 =	sld [smem:$0x3F84]  }
0x1a: {  	s8 =	sadd.s32 $0xFFFFE003, lr  }
0x1b: {  	s9 =	sadd.s32 $0xFFFFFEF7, lr;
	s5 =	simm.s32 $0xFFFFFFFF;
	p2 =	slt.u32 s8, $0xFFFFF086  }
0x1c: {  	p1 =	slt.u32 s9, $0xF7A;
	s5 =	simm.s32 @!p2 $0x0  }
0x1d: {  	s5 =	simm.s32 @p1 $0x1;
	p0 =	seq.s32 s7, s2  }
0x1e: {  	s7 =	smul.u32 @!p0 $0xF7A, s2;
	p2 =	seq.s32 @!p0 s5, $0x0  }
0x1f: {  	s9 =	smul.u32 $0xF7A, s1;
	s8 =	simm.s32 @!p0 $0x1BF5;
	p2 =	por !p2, p0  }
0x20: {  	[sflag:s8] =	ssyncset.s32 @!p0 $0xFFFFF086;
	s6 =	sadd.s32 @!p0 s3, s7;
	s7 =	simm.s32 @!p0 $0x108  }
0x21: {  	s3 =	sadd.s32 s3, s9;
	s6 =	sadd.s32 @!p0 $0x88, s6;
	s7 =	simm.s32 @p2 $0x1082  }
0x22: {  	[simem:s7], [sflag:s8] =	dma.local @!p0 [hbm:s6], $0xF7A  }
0x23: {  	s9 =	sor.u32 $0xD0000000, s2;
	s6 =	simm.s32 $0x108;
	_ =	swait.ge @!p0 [sflag:s8], $0x0  }
0x24: {  	s3 =	sadd.s32 $0x88, s3;
	s6 =	simm.s32 @!p1 $0x1082;
	[sflag:s4] =	ssyncset.s32 $0xFFFFF086  }
0x25: {  	[simem:s6], [sflag:s4] =	dma.local [hbm:s3], $0xF7A  }
0x26: {  	[smem:$0x3F84] =	sst s1;
	(tag) =	ssettag s2;
	_ =	strace s9  }
0x27: {  	s1 =	sld [smem:$0x3F94]  }
0x28: {  	s2 =	sld [smem:$0x3F95]  }
0x29: {  	s4 =	sld [smem:$0x3F97]  }
0x2a: {  	p0 =	seq.s32 s5, $0x0;
	s5 =	sld [smem:$0x3F98]  }
0x2b: {  	s6 =	sld [smem:$0x3F99]  }
0x2c: {  	s7 =	sld [smem:$0x3F9A]  }
0x2d: {  	s3 =	simm.s32 $0x108;
	s8 =	sld [smem:$0x3F9B]  }
0x2e: {  	s3 =	simm.s32 @!p0 $0x1082;
	s9 =	sld [smem:$0x3F9C]  }
0x2f: {  	lr =	sadd.s32 s0, s3;
	s0 =	sld [smem:$0x3F93]  }
0x30: {  	s3 =	sld [smem:$0x3F96]  }
0x31: {  	[smem:$0x3F9F] =	sst s10  }
0x32: {  	s10 =	sld [smem:$0x3F9D];
	_ =	sdelay $0x3  }
0x33: {  	p0 =	seq.s32 s10, $0x1;
	s10 =	sld [smem:$0x3F9F];
	_ =	sdelay $0x3  }
0x34: {  	[smem:$0x3F9F] =	sst s10  }
0x35: {  	s10 =	sld [smem:$0x3F9E];
	_ =	sdelay $0x3  }
0x36: {  	p1 =	seq.s32 s10, $0x1;
	s10 =	sld [smem:$0x3F9F];
	_ =	sdelay $0x3  }
0x37: {  	[smem:$0x3F9F] =	sst s10  }
0x38: {  	s10 =	sld [smem:$0x3FA0]  }
0x39: {  	_ = 	snop;
	(pc) =	sbr.ind lr, $3  }
0x3a: {  	_ = 	snop  }
0x3b: {  	_ = 	snop  }
0x3c: {  	p2 =	seq.s32 s10, $0x1;
	s10 =	sld [smem:$0x3F9F]  }
0x3d: {  	_ =	shalt  }
0x3e: {  	_ =	shalt  }
0x3f: {  	_ =	shalt  }
0x40: {  	_ =	shalt  }
0x41: {  	_ =	shalt  }
0x42: {  	_ =	shalt  }
0x43: {  	_ =	shalt  }
0x44: {  	_ =	shalt  }
0x45: {  	_ =	shalt  }
0x46: {  	_ =	shalt  }
0x47: {  	_ =	shalt  }
0x48: {  	_ =	shalt  }
0x49: {  	_ =	shalt  }
0x4a: {  	_ =	shalt  }
0x4b: {  	_ =	shalt  }
0x4c: {  	_ =	shalt  }
0x4d: {  	_ =	shalt  }
0x4e: {  	_ =	shalt  }
0x4f: {  	_ =	shalt  }
0x50: {  	_ =	shalt  }
0x51: {  	_ =	shalt  }
0x52: {  	_ =	shalt  }
0x53: {  	_ =	shalt  }
0x54: {  	_ =	shalt  }
0x55: {  	_ =	shalt  }
0x56: {  	_ =	shalt  }
0x57: {  	_ =	shalt  }
0x58: {  	_ =	shalt  }
0x59: {  	_ =	shalt  }
0x5a: {  	_ =	shalt  }
0x5b: {  	_ =	shalt  }
0x5c: {  	_ =	shalt  }
0x5d: {  	_ =	shalt  }
0x5e: {  	_ =	shalt  }
0x5f: {  	_ =	shalt  }
0x60: {  	_ =	shalt  }
0x61: {  	_ =	shalt  }
0x62: {  	_ =	shalt  }
0x63: {  	_ =	shalt  }
0x64: {  	_ =	shalt  }
0x65: {  	_ =	shalt  }
0x66: {  	_ =	shalt  }
0x67: {  	_ =	shalt  }
0x68: {  	_ =	shalt  }
0x69: {  	_ =	shalt  }
0x6a: {  	_ =	shalt  }
0x6b: {  	_ =	shalt  }
0x6c: {  	_ =	shalt  }
0x6d: {  	_ =	shalt  }
0x6e: {  	_ =	shalt  }
0x6f: {  	_ =	shalt  }
0x70: {  	_ =	shalt  }
0x71: {  	_ =	shalt  }
0x72: {  	_ =	shalt  }
0x73: {  	_ =	shalt  }
0x74: {  	_ =	shalt  }
0x75: {  	_ =	shalt  }
0x76: {  	_ =	shalt  }
0x77: {  	_ =	shalt  }
0x78: {  	_ =	shalt  }
0x79: {  	_ =	shalt  }
0x7a: {  	_ =	shalt  }
0x7b: {  	_ =	shalt  }
0x7c: {  	_ =	shalt  }
0x7d: {  	_ =	shalt  }
0x7e: {  	_ =	shalt  }
0x7f: {  	_ =	shalt  }
0x80: {  	_ =	shalt  }
0x81: {  	_ =	shalt  }
0x82: {  	_ =	shalt  }
0x83: {  	_ =	shalt  }
0x84: {  	_ =	shalt  }
0x85: {  	_ =	shalt  }
0x86: {  	_ =	shalt  }
0x87: {  	_ =	shalt  }
.Lfunc_end0:
.L_simem_size_0:
called_computation_lowered:
.L_overlay_start_0:
0x88: {  	s2 =	sld [smem:$0x3FD9]  }
0x89: {  	s3 =	sld [smem:$0x3FFE];
	_ =	sdelay $0x1  }
0x8a: {  	s1 =	srdreg.scid  }
0x8b: {  	s0 =	sand.u32 $0x1, s1  }
0x8c: {  	s17 =	sshll.u32 s0, $0xA;
	s2 =	sadd.s32 s3, s2  }
0x8d: {  	s2 =	sadd.s32 s2, s17  }
0x8e: {  	[smem:$0x3FAB] =	sst s2  }
0x8f: {  	_ = 	snop  }
0x90: {  	s2 =	sld [smem:$0x3FC9];
	(tm) =	ssettm $0x1  }
0x91: {  	s18 =	sld [smem:$0x3FFB];
	_ =	sdelay $0x3  }
0x92: {  	_ =	strace s18  }
0x93: {  	s3 =	sld [smem:$0x3FFC];
	_ =	sdelay $0x3  }
0x94: {  	_ =	strace s3  }
0x95: {  	s3 =	sld [smem:$0x3FFD];
	_ =	sdelay $0x3  }
0x96: {  	_ =	strace s3  }
0x97: {  	_ =	strace $0x8FFFFFFF  }
0x98: {  	s19 =	sld [smem:$0x3FDB];
	_ =	sdelay $0x1  }
0x99: {  	s4 =	simm.s32 $_scs_section_size  }
0x9a: {  	s5 =	simm.s32 $_size__tile_overlayer_lowered;
	s6 =	simm.s32 $_tile_overlayer_lowered  }
0x9b: {  	s22 =	simm.s32 $0x1BFF;
	s21 =	sshll.u32 s6, $0x1;
	s3 =	sadd.s32 s4, s19  }
0x9c: {  	s7 =	simm.s32 $0x0;
	s20 =	sshll.u32 s5, $0x1;
	s5 =	sadd.s32 s21, s3  }
0x9d: {  	[timem:s7], [sflag:s22] =	dma.local [hbm:s5], s20  }
0x9e: {  	_ =	swait.ge [sflag:s22], s20  }
0x9f: {  	s4 =	ssub.s32 $0x0, s20;
	[sflag:s22] =	ssyncset.done $0x0  }
0xa0: {  	[sflag:s22] =	ssyncadd.s32 s4;
	_ =	sdelay $0x1  }
0xa1: {  	s23 =	simm.s32 $0x1B8B  }
0xa2: {  	_ =	swait.ge [sflag:s23], $0x1  }
0xa3: {  	[sflag:s23] =	ssyncset.done $0x0  }
0xa4: {  	s25 =	simm.s32 $0x1B8E;
	s24 =	sld [smem:$0x3FFE];
	[sflag:s23] =	ssyncadd.s32 $0xFFFFFFFF  }
0xa5: {  	s26 =	simm.s32 $execute0_lowered;
	[smem:$0x3FD2] =	sst s25  }
0xa6: {  	s5 =	sshll.u32 s26, $0x1;
	_ =	strace $0x80000046;
	[dreg:$0x1] =	wrdreg $0xFFFFFFFF  }
0xa7: {  	s28 =	simm.s32 $_size_execute0_lowered;
	s3 =	sadd.s32 s3, s5;
	[dreg:$0x0] =	wrdreg $0x0  }
0xa8: {  	s5 =	sshll.u32 s28, $0x1;
	[dreg:$0x2] =	wrdreg s3  }
0xa9: {  	[dreg:$0x3] =	wrdreg s5  }
0xaa: {  	[dreg:$0x4] =	wrdreg $0xC0  }
0xab: {  	_ =	task [dreg:s7], $0x5FFFF  }
0xac: {  	[dreg:$0x1] =	wrdreg $0xFFFFFFFF  }
0xad: {  	[dreg:$0x0] =	wrdreg $0x60  }
0xae: {  	[dreg:$0x2] =	wrdreg s24  }
0xaf: {  	[dreg:$0x3] =	wrdreg s2  }
0xb0: {  	[dreg:$0x4] =	wrdreg $0x9  }
0xb1: {  	_ =	task.clear_ibuf [dreg:s7], $0x5FFFF;
	_ =	strace $0x90000046  }
0xb2: {  	s29 =	simm.s32 $0x9;
	_ =	strace $0x80000048  }
0xb3: {  	_ =	swait.ge [sflag:s29], $0x1  }
0xb4: {  	[sflag:s29] =	ssyncadd.s32 $0xFFFFFFFF  }
0xb5: {  	_ =	strace $0x90000048  }
0xb6: {  	_ =	sfence  }
0xb7: {  	s30 =	sld [smem:$0x0];
	_ =	sdelay $0x2  }
0xb8: {  	s31 =	sshll.u32 s1, $0xD;
	s1 =	sshrl.u32 s1, $0x2  }
0xb9: {  	s3 =	sand.u32 $0x4000, s31;
	s1 =	sadd.s32 s1, s30  }
0xba: {  	s0 =	sor.u32 s3, s0;
	s1 =	sshll.u32 s1, $0x11  }
0xbb: {  	s0 =	sor.u32 s1, s0  }
0xbc: {  	s0 =	sadd.s32 $0x8F2B, s0  }
0xbd: {  	[sflag:s0] =	ssyncadd.remote.s32 $0x1  }
0xbe: {  	_ =	sfence.sel $0xFFFF  }
0xbf: {  	[dreg:$0x0] =	wrdreg $0xFFFFFFFF;
	(pc) =	sbr.abs _section_cstart, $3  }
0xc0: {  	[dreg:$0x1] =	wrdreg $0xFFFFFFFF  }
0xc1: {  	_ =	task.clear_ibuf [dreg:s7], $0x2FFFF;
	_ =	strace $0x9FFFFFFF  }
0xc2: {  	(tm) =	ssettm $0x7FFFFFFF  }
0xc3: {  	_ =	shalt  }
tec
execute0_lowered:
.L_overlay_start_1:
0x0: {  	(tag) =	ssettag $0x1  }
0x1: {  	s0 =	srdreg.scid  }
0x2: {  	s16 =	stileid.u32;
	s1 =	rddreg [dreg:$0x0]  }
0x3: {  	s5 =	rddreg [dreg:$0x1];
	s17 =	simm.s32 $0x80;
	s18 =	simm.s32 $0x3880  }
0x4: {  	s19 =	simm.s32 $0x4880;
	s31 =	simm.s32 $0xA880;
	s28 =	simm.s32 $0x0  }
0x5: {  	s0 =	sand.u32 $0x1, s0;
	s2 =	sshll.u32 s16, $0x1;
	s16 =	smul.u32 $0x1C400, s16  }
0x6: {  	s10 =	sor.u32 s0, s2;
	s22 =	ssub.s32 $0x2, s0;
	s0 =	smul.u32 $0xE200, s0  }
0x7: {  	s3 =	sadd.s32 $0xEC000, s1;
	s4 =	sadd.s32 $0x28A00, s1;
	s6 =	smul.u32 $0x710, s10  }
0x8: {  	s13 =	sadd.s32 $0x1AF600, s1;
	s2 =	simm.s32 $0x0;
	s7 =	smul.u32 $0x50, s10  }
0x9: {  	s14 =	sadd.s32 $0x373600, s1;
	[smem:$0x7FF] =	sst s2;
	s20 =	smul.u32 $0xA00, s10  }
0xa: {  	s21 =	sshll.u32 s10, $0x7;
	s11 =	smul.u32 $0xE2000, s10;
	s23 =	sshrl.u32 s22, $0x1  }
0xb: {  	s26 =	sshll.u32 s10, $0x2;
	s29 =	sadd.s32 s16, s13;
	s30 =	sadd.s32 s16, s14  }
0xc: {  	s16 =	simm.s32 $0x2;
	_ =	strace $0x80000047;
	s12 =	sadd.s32 s21, s1  }
0xd: {  	s15 =	ssub.s32 s22, s23;
	s21 =	simm.s32 $0x6880;
	s22 =	simm.s32 $0x7880  }
0xe: {  	s23 =	simm.s32 $0x8880;
	s8 =	sadd.s32 s6, s1;
	s9 =	sadd.s32 s7, s1  }
0xf: {  	s1 =	sadd.s32 s20, s1;
	s11 =	sshrl.u32 s11, $0x4;
	s12 =	sadd.s32 $0x9F000, s12  }
0x10: {  	s20 =	simm.s32 $0x5880;
	s24 =	sadd.s32 $0xC600, s8;
	s11 =	sadd.s32 $0xE000, s11  }
0x11: {  	s7 =	sadd.s32 $0x1A800, s8;
	s9 =	sadd.s32 $0x8A600, s9;
	s10 =	sadd.s32 $0x8B000, s1  }
0x12: {  	[dreg:$0x3] =	wrdreg s24;
	s25 =	sadd.s32 s13, s11;
	s8 =	sadd.s32 s14, s11  }
0x13: {  	s11 =	sadd.s32 s5, s26;
	s13 =	smax.u32 s15, $0x1;
	s14 =	sadd.s32 s0, s29  }
0x14: {  	s15 =	sadd.s32 s0, s30;
	s24 =	simm.s32 $0x9880;
	s26 =	simm.s32 $0x3800  }
0x15: {  	s0 =	simm.s32 $0xA8A0;
	[dreg:$0x4] =	wrdreg s25;
	s25 =	simm.s32 $0x1  }
.LBB2_1:
0x16: {  	s1 =	rddreg [dreg:$0x3]  }
0x17: {  	[tilespmem:s2], [sflag:$0x2] =	stream.linear.gather [hbm4b:s1+s2], $0x3880, $0x38;
	[tilespmem:$0xACA0] =	vst v63  }
0x18: {  	_ =	swait.ge [sflag:s16], $0x3880  }
0x19: {  	[sflag:s16] =	ssyncset.done $0x0  }
0x1a: {  	s5 =	simm.s32 $0x0;
	[sflag:s16] =	ssyncadd.s32 $0xFFFFC780  }
0x1b: {  	[tilespmem:s18], [sflag:$0x1] =	stream.indirect.gather [hbm4b:s3+s17], $0x20, s5, s17, $0xb8;
	[tilespmem:$0xACA0] =	vst v63  }
0x1c: {  	s6 =	simm.s32 $0x80  }
0x1d: {  	[tilespmem:s19], [sflag:$0x1] =	stream.indirect.gather [hbm4b:s3+s17], $0x20, s6, s17, $0xb8;
	[tilespmem:$0xACA0] =	vst v63  }
0x1e: {  	s5 =	simm.s32 $0x100  }
0x1f: {  	[tilespmem:s20], [sflag:$0x1] =	stream.indirect.gather [hbm4b:s3+s17], $0x20, s5, s17, $0xb8;
	[tilespmem:$0xACA0] =	vst v63  }
0x20: {  	s6 =	simm.s32 $0x180  }
0x21: {  	[tilespmem:s21], [sflag:$0x1] =	stream.indirect.gather [hbm4b:s3+s17], $0x20, s6, s17, $0xb8;
	[tilespmem:$0xACA0] =	vst v63  }
0x22: {  	s5 =	simm.s32 $0x200  }
0x23: {  	[tilespmem:s22], [sflag:$0x1] =	stream.indirect.gather [hbm4b:s3+s17], $0x20, s5, s17, $0xb8;
	[tilespmem:$0xACA0] =	vst v63  }
0x24: {  	s6 =	simm.s32 $0x280  }
0x25: {  	[tilespmem:s23], [sflag:$0x1] =	stream.indirect.gather [hbm4b:s3+s17], $0x20, s6, s17, $0xb8;
	[tilespmem:$0xACA0] =	vst v63  }
0x26: {  	s5 =	simm.s32 $0x300  }
0x27: {  	[tilespmem:s24], [sflag:$0x1] =	stream.indirect.gather [hbm4b:s3+s17], $0x20, s5, s17, $0xb8;
	[tilespmem:$0xACA0] =	vst v63  }
0x28: {  	_ =	swait.ge [sflag:s25], $0x1000  }
0x29: {  	[sflag:s25] =	ssyncset.done $0x0  }
0x2a: {  	[sflag:s25] =	ssyncadd.s32 $0xFFFFF000  }
0x2b: {  	_ =	swait.ge [sflag:s25], $0x1000  }
0x2c: {  	[sflag:s25] =	ssyncset.done $0x0  }
0x2d: {  	[sflag:s25] =	ssyncadd.s32 $0xFFFFF000  }
0x2e: {  	_ =	swait.ge [sflag:s25], $0x1000  }
0x2f: {  	[sflag:s25] =	ssyncset.done $0x0  }
0x30: {  	[sflag:s25] =	ssyncadd.s32 $0xFFFFF000  }
0x31: {  	_ =	swait.ge [sflag:s25], $0x1000  }
0x32: {  	[sflag:s25] =	ssyncset.done $0x0  }
0x33: {  	[sflag:s25] =	ssyncadd.s32 $0xFFFFF000  }
0x34: {  	_ =	swait.ge [sflag:s25], $0x1000  }
0x35: {  	[sflag:s25] =	ssyncset.done $0x0  }
0x36: {  	[sflag:s25] =	ssyncadd.s32 $0xFFFFF000  }
0x37: {  	_ =	swait.ge [sflag:s25], $0x1000  }
0x38: {  	[sflag:s25] =	ssyncset.done $0x0  }
0x39: {  	[sflag:s25] =	ssyncadd.s32 $0xFFFFF000  }
0x3a: {  	_ =	swait.ge [sflag:s25], $0x1000  }
0x3b: {  	[sflag:s25] =	ssyncset.done $0x0  }
0x3c: {  	s6 =	sadd.s32 $0x0, s14;
	[sflag:s25] =	ssyncadd.s32 $0xFFFFF000  }
0x3d: {  	[hbm4b:s6+s2] =	stream.linear.scatter [tilespmem:s18], [sflag:$0x2], $0x7000, $0x38;
	[tilespmem:$0xACA0] =	vst v63  }
0x3e: {  	_ =	swait.ge [sflag:s16], $0x7000  }
0x3f: {  	s29 =	simm.s32 $0xE00;
	s30 =	simm.s32 $0x1C00;
	[sflag:s16] =	ssyncset.done $0x0  }
.LBB2_2:
0x40: {  	s6 =	sshra.s32 s29, $0x2  }
0x41: {  	[sflag:s16] =	ssyncadd.s32 $0xFFFF9000;
	s1 =	smov.u32 s30;
	s5 =	sadd.s32 $0xE00, s30  }
0x42: {  	[tilespmem:s18], [sflag:$0x1] =	stream.indirect.gather [hbm4b:s3+s17], $0x20, s6, s17, $0xb8;
	[tilespmem:$0xACA0] =	vst v63  }
0x43: {  	p0 =	sne.s32 s30, $0xD200;
	s30 =	sadd.s32 $0x80, s6  }
0x44: {  	[tilespmem:s19], [sflag:$0x1] =	stream.indirect.gather [hbm4b:s3+s17], $0x20, s30, s17, $0xb8;
	[tilespmem:$0xACA0] =	vst v63  }
0x45: {  	s30 =	sadd.s32 $0x100, s6  }
0x46: {  	[tilespmem:s20], [sflag:$0x1] =	stream.indirect.gather [hbm4b:s3+s17], $0x20, s30, s17, $0xb8;
	[tilespmem:$0xACA0] =	vst v63  }
0x47: {  	s30 =	sadd.s32 $0x180, s6  }
0x48: {  	[tilespmem:s21], [sflag:$0x1] =	stream.indirect.gather [hbm4b:s3+s17], $0x20, s30, s17, $0xb8;
	[tilespmem:$0xACA0] =	vst v63  }
0x49: {  	s30 =	sadd.s32 $0x200, s6  }
0x4a: {  	[tilespmem:s22], [sflag:$0x1] =	stream.indirect.gather [hbm4b:s3+s17], $0x20, s30, s17, $0xb8;
	[tilespmem:$0xACA0] =	vst v63  }
0x4b: {  	s30 =	sadd.s32 $0x280, s6  }
0x4c: {  	[tilespmem:s23], [sflag:$0x1] =	stream.indirect.gather [hbm4b:s3+s17], $0x20, s30, s17, $0xb8;
	[tilespmem:$0xACA0] =	vst v63  }
0x4d: {  	s6 =	sadd.s32 $0x300, s6  }
0x4e: {  	[tilespmem:s24], [sflag:$0x1] =	stream.indirect.gather [hbm4b:s3+s17], $0x20, s6, s17, $0xb8;
	[tilespmem:$0xACA0] =	vst v63  }
0x4f: {  	_ =	swait.ge [sflag:s25], $0x1000  }
0x50: {  	[sflag:s25] =	ssyncset.done $0x0  }
0x51: {  	[sflag:s25] =	ssyncadd.s32 $0xFFFFF000  }
0x52: {  	_ =	swait.ge [sflag:s25], $0x1000  }
0x53: {  	[sflag:s25] =	ssyncset.done $0x0  }
0x54: {  	[sflag:s25] =	ssyncadd.s32 $0xFFFFF000  }
0x55: {  	_ =	swait.ge [sflag:s25], $0x1000  }
0x56: {  	[sflag:s25] =	ssyncset.done $0x0  }
0x57: {  	[sflag:s25] =	ssyncadd.s32 $0xFFFFF000  }
0x58: {  	_ =	swait.ge [sflag:s25], $0x1000  }
0x59: {  	[sflag:s25] =	ssyncset.done $0x0  }
0x5a: {  	[sflag:s25] =	ssyncadd.s32 $0xFFFFF000  }
0x5b: {  	_ =	swait.ge [sflag:s25], $0x1000  }
0x5c: {  	[sflag:s25] =	ssyncset.done $0x0  }
0x5d: {  	[sflag:s25] =	ssyncadd.s32 $0xFFFFF000  }
0x5e: {  	_ =	swait.ge [sflag:s25], $0x1000  }
0x5f: {  	[sflag:s25] =	ssyncset.done $0x0  }
0x60: {  	[sflag:s25] =	ssyncadd.s32 $0xFFFFF000  }
0x61: {  	_ =	swait.ge [sflag:s25], $0x1000  }
.Ltmp0:
0x62: {  	[sflag:s25] =	ssyncset.done $0x0;
	(pc) =	sbr.rel @p0 .LBB2_2-.Ltmp0, $4  }
0x63: {  	s6 =	sadd.s32 s29, s14;
	s29 =	smov.u32 s1;
	[sflag:s25] =	ssyncadd.s32 $0xFFFFF000  }
0x64: {  	[hbm4b:s6+s2] =	stream.linear.scatter [tilespmem:s18], [sflag:$0x2], $0x7000, $0x38;
	[tilespmem:$0xACA0] =	vst v63  }
0x65: {  	_ =	swait.ge [sflag:s16], $0x7000  }
0x66: {  	s30 =	smov.u32 s5;
	[sflag:s16] =	ssyncset.done $0x0  }
0x67: {  	s1 =	sshra.s32 s29, $0x2;
	[sflag:s16] =	ssyncadd.s32 $0xFFFF9000  }
0x68: {  	[tilespmem:s18], [sflag:$0x1] =	stream.indirect.gather [hbm4b:s3+s17], $0x20, s1, s17, $0xb8;
	[tilespmem:$0xACA0] =	vst v63  }
0x69: {  	s5 =	sadd.s32 $0x80, s1  }
0x6a: {  	[tilespmem:s19], [sflag:$0x1] =	stream.indirect.gather [hbm4b:s3+s17], $0x20, s5, s17, $0xb8;
	[tilespmem:$0xACA0] =	vst v63  }
0x6b: {  	s6 =	sadd.s32 $0x100, s1  }
0x6c: {  	[tilespmem:s20], [sflag:$0x1] =	stream.indirect.gather [hbm4b:s3+s17], $0x20, s6, s17, $0xb8;
	[tilespmem:$0xACA0] =	vst v63  }
0x6d: {  	s30 =	sadd.s32 $0x180, s1  }
0x6e: {  	[tilespmem:s21], [sflag:$0x1] =	stream.indirect.gather [hbm4b:s3+s17], $0x20, s30, s17, $0xb8;
	[tilespmem:$0xACA0] =	vst v63  }
0x6f: {  	s6 =	sadd.s32 $0x200, s1  }
0x70: {  	[tilespmem:s22], [sflag:$0x1] =	stream.indirect.gather [hbm4b:s3+s17], $0x20, s6, s17, $0xb8;
	[tilespmem:$0xACA0] =	vst v63  }
0x71: {  	s30 =	sadd.s32 $0x280, s1  }
0x72: {  	[tilespmem:s23], [sflag:$0x1] =	stream.indirect.gather [hbm4b:s3+s17], $0x20, s30, s17, $0xb8;
	[tilespmem:$0xACA0] =	vst v63  }
0x73: {  	s1 =	sadd.s32 $0x300, s1  }
0x74: {  	[tilespmem:s24], [sflag:$0x1] =	stream.indirect.gather [hbm4b:s3+s17], $0x20, s1, s17, $0xb8;
	[tilespmem:$0xACA0] =	vst v63  }
0x75: {  	_ =	swait.ge [sflag:s25], $0x1000  }
0x76: {  	[sflag:s25] =	ssyncset.done $0x0  }
0x77: {  	[sflag:s25] =	ssyncadd.s32 $0xFFFFF000  }
0x78: {  	_ =	swait.ge [sflag:s25], $0x1000  }
0x79: {  	[sflag:s25] =	ssyncset.done $0x0  }
0x7a: {  	[sflag:s25] =	ssyncadd.s32 $0xFFFFF000  }
0x7b: {  	_ =	swait.ge [sflag:s25], $0x1000  }
0x7c: {  	[sflag:s25] =	ssyncset.done $0x0  }
0x7d: {  	[sflag:s25] =	ssyncadd.s32 $0xFFFFF000  }
0x7e: {  	_ =	swait.ge [sflag:s25], $0x1000  }
0x7f: {  	[sflag:s25] =	ssyncset.done $0x0  }
0x80: {  	[sflag:s25] =	ssyncadd.s32 $0xFFFFF000  }
0x81: {  	_ =	swait.ge [sflag:s25], $0x1000  }
0x82: {  	[sflag:s25] =	ssyncset.done $0x0  }
0x83: {  	[sflag:s25] =	ssyncadd.s32 $0xFFFFF000  }
0x84: {  	_ =	swait.ge [sflag:s25], $0x1000  }
0x85: {  	[sflag:s25] =	ssyncset.done $0x0  }
0x86: {  	[sflag:s25] =	ssyncadd.s32 $0xFFFFF000  }
0x87: {  	_ =	swait.ge [sflag:s25], $0x1000  }
0x88: {  	[sflag:s25] =	ssyncset.done $0x0  }
0x89: {  	s5 =	sadd.s32 s29, s14;
	[sflag:s25] =	ssyncadd.s32 $0xFFFFF000  }
0x8a: {  	[hbm4b:s5+s2] =	stream.linear.scatter [tilespmem:s18], [sflag:$0x2], $0x7000, $0x38;
	[tilespmem:$0xACA0] =	vst v63  }
0x8b: {  	_ =	swait.ge [sflag:s16], $0x7000  }
0x8c: {  	[sflag:s16] =	ssyncset.done $0x0  }
0x8d: {  	[sflag:s16] =	ssyncadd.s32 $0xFFFF9000  }
0x8e: {  	[tilespmem:s18], [sflag:$0x1] =	stream.indirect.gather [hbm4b:s3+s17], $0x20, s26, s17, $0xb8;
	[tilespmem:$0xACA0] =	vst v63  }
0x8f: {  	_ =	swait.ge [sflag:s25], $0x1000  }
0x90: {  	[sflag:s25] =	ssyncset.done $0x0  }
0x91: {  	s6 =	simm.s32 $0x0;
	s30 =	rddreg [dreg:$0x4];
	[sflag:s25] =	ssyncadd.s32 $0xFFFFF000  }
0x92: {  	[hbm4b:s30+s6] =	stream.linear.scatter [tilespmem:s18], [sflag:$0x2], $0x1000, $0x38;
	[tilespmem:$0xACA0] =	vst v63  }
0x93: {  	_ =	swait.ge [sflag:s16], $0x1000  }
0x94: {  	[sflag:s16] =	ssyncset.done $0x0  }
0x95: {  	[sflag:s16] =	ssyncadd.s32 $0xFFFFF000  }
0x96: {  	[tilespmem:s6], [sflag:$0x2] =	stream.linear.gather [hbm4b:s7+s6], $0x3880, $0x38;
	[tilespmem:$0xACA0] =	vst v63  }
0x97: {  	_ =	swait.ge [sflag:s16], $0x3880  }
0x98: {  	[sflag:s16] =	ssyncset.done $0x0  }
0x99: {  	s6 =	simm.s32 $0x0;
	[sflag:s16] =	ssyncadd.s32 $0xFFFFC780  }
0x9a: {  	[tilespmem:s18], [sflag:$0x1] =	stream.indirect.gather [hbm4b:s3+s17], $0x20, s6, s17, $0xb8;
	[tilespmem:$0xACA0] =	vst v63  }
0x9b: {  	s30 =	simm.s32 $0x80  }
0x9c: {  	[tilespmem:s19], [sflag:$0x1] =	stream.indirect.gather [hbm4b:s3+s17], $0x20, s30, s17, $0xb8;
	[tilespmem:$0xACA0] =	vst v63  }
0x9d: {  	s5 =	simm.s32 $0x100  }
0x9e: {  	[tilespmem:s20], [sflag:$0x1] =	stream.indirect.gather [hbm4b:s3+s17], $0x20, s5, s17, $0xb8;
	[tilespmem:$0xACA0] =	vst v63  }
0x9f: {  	s6 =	simm.s32 $0x180  }
0xa0: {  	[tilespmem:s21], [sflag:$0x1] =	stream.indirect.gather [hbm4b:s3+s17], $0x20, s6, s17, $0xb8;
	[tilespmem:$0xACA0] =	vst v63  }
0xa1: {  	s30 =	simm.s32 $0x200  }
0xa2: {  	[tilespmem:s22], [sflag:$0x1] =	stream.indirect.gather [hbm4b:s3+s17], $0x20, s30, s17, $0xb8;
	[tilespmem:$0xACA0] =	vst v63  }
0xa3: {  	s5 =	simm.s32 $0x280  }
0xa4: {  	[tilespmem:s23], [sflag:$0x1] =	stream.indirect.gather [hbm4b:s3+s17], $0x20, s5, s17, $0xb8;
	[tilespmem:$0xACA0] =	vst v63  }
0xa5: {  	s6 =	simm.s32 $0x300  }
0xa6: {  	[tilespmem:s24], [sflag:$0x1] =	stream.indirect.gather [hbm4b:s3+s17], $0x20, s6, s17, $0xb8;
	[tilespmem:$0xACA0] =	vst v63  }
0xa7: {  	_ =	swait.ge [sflag:s25], $0x1000  }
0xa8: {  	[sflag:s25] =	ssyncset.done $0x0  }
0xa9: {  	[sflag:s25] =	ssyncadd.s32 $0xFFFFF000  }
0xaa: {  	_ =	swait.ge [sflag:s25], $0x1000  }
0xab: {  	[sflag:s25] =	ssyncset.done $0x0  }
0xac: {  	[sflag:s25] =	ssyncadd.s32 $0xFFFFF000  }
0xad: {  	_ =	swait.ge [sflag:s25], $0x1000  }
0xae: {  	[sflag:s25] =	ssyncset.done $0x0  }
0xaf: {  	[sflag:s25] =	ssyncadd.s32 $0xFFFFF000  }
0xb0: {  	_ =	swait.ge [sflag:s25], $0x1000  }
0xb1: {  	[sflag:s25] =	ssyncset.done $0x0  }
0xb2: {  	[sflag:s25] =	ssyncadd.s32 $0xFFFFF000  }
0xb3: {  	_ =	swait.ge [sflag:s25], $0x1000  }
0xb4: {  	[sflag:s25] =	ssyncset.done $0x0  }
0xb5: {  	[sflag:s25] =	ssyncadd.s32 $0xFFFFF000  }
0xb6: {  	_ =	swait.ge [sflag:s25], $0x1000  }
0xb7: {  	[sflag:s25] =	ssyncset.done $0x0  }
0xb8: {  	[sflag:s25] =	ssyncadd.s32 $0xFFFFF000  }
0xb9: {  	_ =	swait.ge [sflag:s25], $0x1000  }
0xba: {  	[sflag:s25] =	ssyncset.done $0x0  }
0xbb: {  	s30 =	sadd.s32 $0x0, s15;
	[sflag:s25] =	ssyncadd.s32 $0xFFFFF000  }
0xbc: {  	[hbm4b:s30+s2] =	stream.linear.scatter [tilespmem:s18], [sflag:$0x2], $0x7000, $0x38;
	[tilespmem:$0xACA0] =	vst v63  }
0xbd: {  	_ =	swait.ge [sflag:s16], $0x7000  }
0xbe: {  	s29 =	simm.s32 $0xE00;
	s5 =	simm.s32 $0x1C00;
	[sflag:s16] =	ssyncset.done $0x0  }
.LBB2_4:
0xbf: {  	s6 =	sshra.s32 s29, $0x2  }
0xc0: {  	[sflag:s16] =	ssyncadd.s32 $0xFFFF9000;
	s1 =	smov.u32 s5;
	s30 =	sadd.s32 $0xE00, s5  }
0xc1: {  	[tilespmem:s18], [sflag:$0x1] =	stream.indirect.gather [hbm4b:s3+s17], $0x20, s6, s17, $0xb8;
	[tilespmem:$0xACA0] =	vst v63  }
0xc2: {  	p0 =	sne.s32 s5, $0xD200;
	s5 =	sadd.s32 $0x80, s6  }
0xc3: {  	[tilespmem:s19], [sflag:$0x1] =	stream.indirect.gather [hbm4b:s3+s17], $0x20, s5, s17, $0xb8;
	[tilespmem:$0xACA0] =	vst v63  }
0xc4: {  	s5 =	sadd.s32 $0x100, s6  }
0xc5: {  	[tilespmem:s20], [sflag:$0x1] =	stream.indirect.gather [hbm4b:s3+s17], $0x20, s5, s17, $0xb8;
	[tilespmem:$0xACA0] =	vst v63  }
0xc6: {  	s5 =	sadd.s32 $0x180, s6  }
0xc7: {  	[tilespmem:s21], [sflag:$0x1] =	stream.indirect.gather [hbm4b:s3+s17], $0x20, s5, s17, $0xb8;
	[tilespmem:$0xACA0] =	vst v63  }
0xc8: {  	s5 =	sadd.s32 $0x200, s6  }
0xc9: {  	[tilespmem:s22], [sflag:$0x1] =	stream.indirect.gather [hbm4b:s3+s17], $0x20, s5, s17, $0xb8;
	[tilespmem:$0xACA0] =	vst v63  }
0xca: {  	s5 =	sadd.s32 $0x280, s6  }
0xcb: {  	[tilespmem:s23], [sflag:$0x1] =	stream.indirect.gather [hbm4b:s3+s17], $0x20, s5, s17, $0xb8;
	[tilespmem:$0xACA0] =	vst v63  }
0xcc: {  	s5 =	sadd.s32 $0x300, s6  }
0xcd: {  	[tilespmem:s24], [sflag:$0x1] =	stream.indirect.gather [hbm4b:s3+s17], $0x20, s5, s17, $0xb8;
	[tilespmem:$0xACA0] =	vst v63  }
0xce: {  	_ =	swait.ge [sflag:s25], $0x1000  }
0xcf: {  	[sflag:s25] =	ssyncset.done $0x0  }
0xd0: {  	[sflag:s25] =	ssyncadd.s32 $0xFFFFF000  }
0xd1: {  	_ =	swait.ge [sflag:s25], $0x1000  }
0xd2: {  	[sflag:s25] =	ssyncset.done $0x0  }
0xd3: {  	[sflag:s25] =	ssyncadd.s32 $0xFFFFF000  }
0xd4: {  	_ =	swait.ge [sflag:s25], $0x1000  }
0xd5: {  	[sflag:s25] =	ssyncset.done $0x0  }
0xd6: {  	[sflag:s25] =	ssyncadd.s32 $0xFFFFF000  }
0xd7: {  	_ =	swait.ge [sflag:s25], $0x1000  }
0xd8: {  	[sflag:s25] =	ssyncset.done $0x0  }
0xd9: {  	[sflag:s25] =	ssyncadd.s32 $0xFFFFF000  }
0xda: {  	_ =	swait.ge [sflag:s25], $0x1000  }
0xdb: {  	[sflag:s25] =	ssyncset.done $0x0  }
0xdc: {  	[sflag:s25] =	ssyncadd.s32 $0xFFFFF000  }
0xdd: {  	_ =	swait.ge [sflag:s25], $0x1000  }
0xde: {  	[sflag:s25] =	ssyncset.done $0x0  }
0xdf: {  	[sflag:s25] =	ssyncadd.s32 $0xFFFFF000  }
0xe0: {  	_ =	swait.ge [sflag:s25], $0x1000  }
.Ltmp1:
0xe1: {  	[sflag:s25] =	ssyncset.done $0x0;
	(pc) =	sbr.rel @p0 .LBB2_4-.Ltmp1, $4  }
0xe2: {  	s5 =	sadd.s32 s29, s15;
	s29 =	smov.u32 s1;
	[sflag:s25] =	ssyncadd.s32 $0xFFFFF000  }
0xe3: {  	[hbm4b:s5+s2] =	stream.linear.scatter [tilespmem:s18], [sflag:$0x2], $0x7000, $0x38;
	[tilespmem:$0xACA0] =	vst v63  }
0xe4: {  	_ =	swait.ge [sflag:s16], $0x7000  }
0xe5: {  	s5 =	smov.u32 s30;
	[sflag:s16] =	ssyncset.done $0x0  }
0xe6: {  	s1 =	sshra.s32 s29, $0x2;
	[sflag:s16] =	ssyncadd.s32 $0xFFFF9000  }
0xe7: {  	[tilespmem:s18], [sflag:$0x1] =	stream.indirect.gather [hbm4b:s3+s17], $0x20, s1, s17, $0xb8;
	[tilespmem:$0xACA0] =	vst v63  }
0xe8: {  	s5 =	sadd.s32 $0x80, s1  }
0xe9: {  	[tilespmem:s19], [sflag:$0x1] =	stream.indirect.gather [hbm4b:s3+s17], $0x20, s5, s17, $0xb8;
	[tilespmem:$0xACA0] =	vst v63  }
0xea: {  	s30 =	sadd.s32 $0x100, s1  }
0xeb: {  	[tilespmem:s20], [sflag:$0x1] =	stream.indirect.gather [hbm4b:s3+s17], $0x20, s30, s17, $0xb8;
	[tilespmem:$0xACA0] =	vst v63  }
0xec: {  	s6 =	sadd.s32 $0x180, s1  }
0xed: {  	[tilespmem:s21], [sflag:$0x1] =	stream.indirect.gather [hbm4b:s3+s17], $0x20, s6, s17, $0xb8;
	[tilespmem:$0xACA0] =	vst v63  }
0xee: {  	s30 =	sadd.s32 $0x200, s1  }
0xef: {  	[tilespmem:s22], [sflag:$0x1] =	stream.indirect.gather [hbm4b:s3+s17], $0x20, s30, s17, $0xb8;
	[tilespmem:$0xACA0] =	vst v63  }
0xf0: {  	s6 =	sadd.s32 $0x280, s1  }
0xf1: {  	[tilespmem:s23], [sflag:$0x1] =	stream.indirect.gather [hbm4b:s3+s17], $0x20, s6, s17, $0xb8;
	[tilespmem:$0xACA0] =	vst v63  }
0xf2: {  	s1 =	sadd.s32 $0x300, s1  }
0xf3: {  	[tilespmem:s24], [sflag:$0x1] =	stream.indirect.gather [hbm4b:s3+s17], $0x20, s1, s17, $0xb8;
	[tilespmem:$0xACA0] =	vst v63  }
0xf4: {  	_ =	swait.ge [sflag:s25], $0x1000  }
0xf5: {  	[sflag:s25] =	ssyncset.done $0x0  }
0xf6: {  	[sflag:s25] =	ssyncadd.s32 $0xFFFFF000  }
0xf7: {  	_ =	swait.ge [sflag:s25], $0x1000  }
0xf8: {  	[sflag:s25] =	ssyncset.done $0x0  }
0xf9: {  	[sflag:s25] =	ssyncadd.s32 $0xFFFFF000  }
0xfa: {  	_ =	swait.ge [sflag:s25], $0x1000  }
0xfb: {  	[sflag:s25] =	ssyncset.done $0x0  }
0xfc: {  	[sflag:s25] =	ssyncadd.s32 $0xFFFFF000  }
0xfd: {  	_ =	swait.ge [sflag:s25], $0x1000  }
0xfe: {  	[sflag:s25] =	ssyncset.done $0x0  }
0xff: {  	[sflag:s25] =	ssyncadd.s32 $0xFFFFF000  }
0x100: {  	_ =	swait.ge [sflag:s25], $0x1000  }
0x101: {  	[sflag:s25] =	ssyncset.done $0x0  }
0x102: {  	[sflag:s25] =	ssyncadd.s32 $0xFFFFF000  }
0x103: {  	_ =	swait.ge [sflag:s25], $0x1000  }
0x104: {  	[sflag:s25] =	ssyncset.done $0x0  }
0x105: {  	[sflag:s25] =	ssyncadd.s32 $0xFFFFF000  }
0x106: {  	_ =	swait.ge [sflag:s25], $0x1000  }
0x107: {  	[sflag:s25] =	ssyncset.done $0x0  }
0x108: {  	s30 =	sadd.s32 s29, s15;
	[sflag:s25] =	ssyncadd.s32 $0xFFFFF000  }
0x109: {  	[hbm4b:s30+s2] =	stream.linear.scatter [tilespmem:s18], [sflag:$0x2], $0x7000, $0x38;
	[tilespmem:$0xACA0] =	vst v63  }
0x10a: {  	_ =	swait.ge [sflag:s16], $0x7000  }
0x10b: {  	[sflag:s16] =	ssyncset.done $0x0  }
0x10c: {  	[sflag:s16] =	ssyncadd.s32 $0xFFFF9000  }
0x10d: {  	[tilespmem:s18], [sflag:$0x1] =	stream.indirect.gather [hbm4b:s3+s17], $0x20, s26, s17, $0xb8;
	[tilespmem:$0xACA0] =	vst v63  }
0x10e: {  	_ =	swait.ge [sflag:s25], $0x1000  }
0x10f: {  	[sflag:s25] =	ssyncset.done $0x0  }
0x110: {  	[sflag:s25] =	ssyncadd.s32 $0xFFFFF000  }
0x111: {  	[hbm4b:s8+s2] =	stream.linear.scatter [tilespmem:s18], [sflag:$0x2], $0x1000, $0x38;
	[tilespmem:$0xACA0] =	vst v63  }
0x112: {  	_ =	swait.ge [sflag:s16], $0x1000  }
0x113: {  	[sflag:s16] =	ssyncset.done $0x0  }
0x114: {  	[sflag:s16] =	ssyncadd.s32 $0xFFFFF000  }
0x115: {  	[tilespmem:s2], [sflag:$0x2] =	stream.linear.gather [hbm4b:s9+s2], $0x280, $0x38;
	[tilespmem:$0xACA0] =	vst v63  }
0x116: {  	_ =	swait.ge [sflag:s16], $0x280  }
0x117: {  	[sflag:s16] =	ssyncset.done $0x0  }
0x118: {  	[sflag:s16] =	ssyncadd.s32 $0xFFFFFD80  }
0x119: {  	[tilespmem:s18], [sflag:$0x1] =	stream.indirect.gather [hbm4b:s4+s17], $0x20, s2, s17, $0xb8;
	[tilespmem:$0xACA0] =	vst v63  }
0x11a: {  	_ = 	snop  }
0x11b: {  	[tilespmem:s19], [sflag:$0x1] =	stream.indirect.gather [hbm4b:s4+s17], $0x20, s17, s17, $0xb8;
	[tilespmem:$0xACA0] =	vst v63  }
0x11c: {  	s5 =	simm.s32 $0x100  }
0x11d: {  	[tilespmem:s20], [sflag:$0x1] =	stream.indirect.gather [hbm4b:s4+s17], $0x20, s5, s17, $0xb8;
	[tilespmem:$0xACA0] =	vst v63  }
0x11e: {  	s6 =	simm.s32 $0x180  }
0x11f: {  	[tilespmem:s21], [sflag:$0x1] =	stream.indirect.gather [hbm4b:s4+s17], $0x20, s6, s17, $0xb8;
	[tilespmem:$0xACA0] =	vst v63  }
0x120: {  	s29 =	simm.s32 $0x200  }
0x121: {  	[tilespmem:s22], [sflag:$0x1] =	stream.indirect.gather [hbm4b:s4+s17], $0x20, s29, s17, $0xb8;
	[tilespmem:$0xACA0] =	vst v63  }
0x122: {  	_ =	swait.ge [sflag:s25], $0x1000  }
0x123: {  	[sflag:s25] =	ssyncset.done $0x0  }
0x124: {  	[sflag:s25] =	ssyncadd.s32 $0xFFFFF000  }
0x125: {  	_ =	swait.ge [sflag:s25], $0x1000  }
0x126: {  	[sflag:s25] =	ssyncset.done $0x0  }
0x127: {  	[sflag:s25] =	ssyncadd.s32 $0xFFFFF000  }
0x128: {  	_ =	swait.ge [sflag:s25], $0x1000  }
0x129: {  	[sflag:s25] =	ssyncset.done $0x0  }
0x12a: {  	[sflag:s25] =	ssyncadd.s32 $0xFFFFF000  }
0x12b: {  	_ =	swait.ge [sflag:s25], $0x1000  }
0x12c: {  	[sflag:s25] =	ssyncset.done $0x0  }
0x12d: {  	[sflag:s25] =	ssyncadd.s32 $0xFFFFF000  }
0x12e: {  	_ =	swait.ge [sflag:s25], $0x1000  }
0x12f: {  	[sflag:s25] =	ssyncset.done $0x0  }
0x130: {  	[sflag:s25] =	ssyncadd.s32 $0xFFFFF000  }
0x131: {  	[hbm4b:s10+s2] =	stream.linear.scatter [tilespmem:s18], [sflag:$0x2], $0x5000, $0x38;
	[tilespmem:$0xACA0] =	vst v63  }
0x132: {  	_ =	swait.ge [sflag:s16], $0x5000  }
0x133: {  	[sflag:s16] =	ssyncset.done $0x0  }
0x134: {  	[sflag:s16] =	ssyncadd.s32 $0xFFFFB000  }
0x135: {  	[tilespmem:s31], [sflag:$0x2] =	stream.linear.gather [hbm4b:s11+s2], $0x20, $0x38;
	[tilespmem:$0xACA0] =	vst v63  }
0x136: {  	_ =	swait.ge [sflag:s16], $0x20  }
0x137: {  	[sflag:s16] =	ssyncset.done $0x0  }
0x138: {  	s30 =	simm.s32 $0x20;
	[sflag:s16] =	ssyncadd.s32 $0xFFFFFFE0  }
0x139: {  	[tilespmem:s0], [sflag:$0x1] =	stream.indirect.gather [hbm4b:s4+s30], $0x20, s31, s30, $0xb8;
	[tilespmem:$0xACA0] =	vst v63  }
0x13a: {  	s28 =	sadd.s32 $0x1, s28;
	_ =	swait.ge [sflag:s25], $0x400  }
0x13b: {  	p0 =	sne.s32 s28, s13;
	[sflag:s25] =	ssyncset.done $0x0  }
.Ltmp2:
0x13c: {  	[sflag:s25] =	ssyncadd.s32 $0xFFFFFC00;
	(pc) =	sbr.rel @p0 .LBB2_1-.Ltmp2, $4  }
0x13d: {  	[hbm4b:s12+s2] =	stream.linear.scatter [tilespmem:s0], [sflag:$0x2], $0x400, $0x38;
	[tilespmem:$0xACA0] =	vst v63  }
0x13e: {  	_ =	swait.ge [sflag:s16], $0x400  }
0x13f: {  	[sflag:s16] =	ssyncset.done $0x0  }
0x140: {  	[sflag:s16] =	ssyncadd.s32 $0xFFFFFC00  }
0x141: {  	_ =	sfence.sel $0x180000  }
0x142: {  	[bflag:$0x0] =	sbarrier.arrive $0xFFFF  }
0x143: {  	_ =	strace $0x90000047  }
0x144: {  	s0 =	stileid.u32;
	[bflag:$0x2] =	sbarrier.arrive $0xFFFF  }
0x145: {  	p0 =	sne.s32 s0, $0x0;
	s0 =	rddreg [dreg:$0x2]  }
0x146: {  	s0 =	sadd.s32 @!p0 $0x100000, s0  }
0x147: {  	[sflag:s0] =	ssyncadd.tile.s32 @!p0 $0x1;
	_ =	shalt  }
.Lfunc_end2:
_tile_overlayer_lowered:
.L_overlay_start_2:
0x148: {  	(tag) =	ssettag $0x2  }
0x149: {  	s0 =	rddreg [dreg:$0x0];
	s2 =	stileid.u32  }
0x14a: {  	s1 =	rddreg [dreg:$0x1];
	p0 =	sne.s32 s2, $0x0  }
0x14b: {  	s3 =	rddreg [dreg:$0x2];
	[bflag:$0x3] =	sbarrier.arrive $0xFFFF;
	s2 =	simm.s32 @!p0 $0x1C02  }
0x14c: {  	[timem:s3], [sflag:s2] =	dma.local @!p0 [hbm:s0], s1  }
0x14d: {  	s0 =	simm.s32 @!p0 $0x2  }
0x14e: {  	_ =	swait.ge @!p0 [sflag:s0], s1  }
0x14f: {  	s1 =	ssub.s32 @!p0 $0x0, s1;
	[sflag:s0] =	ssyncset.done @!p0 $0x0  }
0x150: {  	[sflag:s0] =	ssyncadd.s32 @!p0 s1  }
0x151: {  	[bflag:$0x3] =	sbarrier.arrive $0xFFFF  }
0x152: {  	_ =	shalt  }

</sc_bundles>
